<compile_context>
chip_gen: v7x
topology: tpu7x:2x2x1
jax: 0.10.2.dev20260603
libtpu: 0.0.44.dev20260713+nightly
codegen_flags: <defaults>
</compile_context>

<pallas_src>
import functools

import jax
import jax.numpy as jnp
from jax import lax
from jax.experimental import pallas as pl
from jax.experimental.pallas import tpu as pltpu
from jax.experimental.pallas import tpu_sc as plsc


def _make_psk_kernel(b, l, m):
    info = plsc.get_sparse_core_info()
    nc, ns, lanes = info.num_cores, info.num_subcores, info.num_lanes
    nw = nc * ns
    assert lanes == 16
    assert b % (128 * nw) == 0 and l % 8 == 0
    nj = b // 128
    ni = l // 8
    j_w = nj // nw
    ic = ni
    for cand in (5, 4, 3, 2, 1):
        if ni % cand == 0:
            ic = cand
            break
    nchunk = ni // ic

    mesh = plsc.VectorSubcoreMesh(core_axis_name="c", subcore_axis_name="s")

    @functools.partial(
        pl.kernel,
        mesh=mesh,
        out_type=jax.ShapeDtypeStruct((l, nj, 256), jnp.float32),
        scratch_types=[
            pltpu.VMEM((m, 2), jnp.float32),
            pltpu.VMEM((ic, 1, 1024), jnp.int32),
            pltpu.VMEM((8 * ic, 1, 256), jnp.float32),
        ],
        compiler_params=pltpu.CompilerParams(
            needs_layout_passes=False, use_tc_tiling_on_sc=False
        ),
    )
    def psk(zq_hbm, tab_hbm, out_hbm, tab_v, z_v, out_v):
        wid = lax.axis_index("s") * nc + lax.axis_index("c")
        pltpu.sync_copy(tab_hbm, tab_v)
        iota = lax.iota(jnp.int32, lanes)
        k0 = jnp.zeros((lanes,), jnp.int32)
        k1 = jnp.ones((lanes,), jnp.int32)
        bg16 = [iota + g * lanes for g in range(8)]
        sg16 = [iota + g * lanes + 128 for g in range(8)]

        def j_body(jj, _):
            j = wid * j_w + jj

            def chunk_body(kk, _):
                i0 = kk * ic
                pltpu.sync_copy(
                    zq_hbm.at[pl.ds(i0, ic), pl.ds(j, 1)], z_v
                )

                def i_body(i, _):
                    iv = k0 + i
                    for r in range(8):
                        lv = iv * 8 + r
                        for g in range(8):
                            rc = bg16[g] + r * 128
                            z16 = plsc.load_gather(z_v, [iv, k0, rc])
                            cc = plsc.load_gather(tab_v, [z16, k0])
                            ss = plsc.load_gather(tab_v, [z16, k1])
                            plsc.store_scatter(out_v, [lv, k0, bg16[g]], cc)
                            plsc.store_scatter(out_v, [lv, k0, sg16[g]], ss)
                    return 0

                lax.fori_loop(0, ic, i_body, 0)
                pltpu.sync_copy(
                    out_v, out_hbm.at[pl.ds(8 * i0, 8 * ic), pl.ds(j, 1)]
                )
                return 0

            lax.fori_loop(0, nchunk, chunk_body, 0)
            return 0

        lax.fori_loop(0, j_w, j_body, 0)

    return psk


def kernel(z, constellation):
    b, l = z.shape
    m = constellation.shape[0]
    zz = z.astype(jnp.int32)
    tab = constellation.astype(jnp.float32)
    zq = (
        zz.T.reshape(l // 8, 8, b // 128, 128)
        .transpose(0, 2, 1, 3)
        .reshape(l // 8, b // 128, 1024)
    )
    o = _make_psk_kernel(b, l, m)(zq, tab)
    return o.reshape(l, b // 128, 2, 128).transpose(1, 3, 0, 2).reshape(b, l, 2)

# --- scband reference (transcript-rebuilt; emitter-appended) ---
"""Pipeline reference for scband-psk-58746562674789 (READ-ONLY COPY).

The authoritative reference and input builder live on the scoring server;
editing this copy changes nothing except your own understanding.
"""

import jax, jax.numpy as jnp
import numpy as np
import math

M = 64
PSNR = 10

def _make_constellation(M):
    angles = jnp.arange(M, dtype=jnp.float32) * 2.0 * jnp.pi / M
    sins = jnp.sin(angles)[:, None]
    coss = jnp.cos(angles)[:, None]
    return jnp.concatenate([coss, sins], axis=1)  # [M, 2]

def setup_inputs(seed: int = 0) -> dict:
    key = jax.random.key(seed)
    k1, _ = jax.random.split(key)
    z = jax.random.randint(k1, (16384, 200), 0, M, dtype=jnp.int64) if jax.config.jax_enable_x64 else jax.random.randint(k1, (16384, 200), 0, M, dtype=jnp.int32)
    constellation = _make_constellation(M)
    return {"z": z, "constellation": constellation}

def reference(z, constellation):
    # PSK.modulate: embedding-style gather of 2-D constellation points by symbol index
    # torch: self.constellation[z] -> [B, L, 2]
    return jnp.take(constellation, z, axis=0)

if __name__ == "__main__":
    import jax
    _d = setup_inputs()
    print(jax.jit(kernel)(*tuple(_d.values())))

</pallas_src>

<mosaic_0001>
#map = affine_map<(d0, d1) -> (0, 0, 0)>
#map1 = affine_map<(d0, d1) -> (0, 0)>
module attributes {stable_mosaic.version = 14 : i64} {
  func.func @psk(%arg0: i32, %arg1: i32, %arg2: memref<25x128x1024xi32, #tpu.memory_space<hbm>>, %arg3: memref<64x2xf32, #tpu.memory_space<hbm>>, %arg4: memref<200x128x256xf32, #tpu.memory_space<hbm>>, %arg5: memref<64x2xf32, #tpu.memory_space<vmem>>, %arg6: memref<5x1x1024xi32, #tpu.memory_space<vmem>>, %arg7: memref<40x1x256xf32, #tpu.memory_space<vmem>>) attributes {dimension_semantics = [#tpu.dimension_semantics<core_parallel>, #tpu.dimension_semantics<subcore_parallel>], iteration_bounds = array<i64: 2, 16>, scalar_prefetch = 0 : i64, scratch_operands = 3 : i64, tpu.core_type = #tpu.core_type<sc_vector_subcore>, window_params = [{transform_indices = #map}, {transform_indices = #map1}, {transform_indices = #map}]} {
    %mul3A = arith.constant 2 : i32
    %mul3A_0 = arith.muli %arg1, %mul3A : i32
    %add3A = arith.addi %mul3A_0, %arg0 : i32
    "tpu.region"() ({
      %run_scoped3A = tpu.sem_alloc : memref<!tpu.dma_semaphore, #tpu.memory_space<semaphore_mem>>
      tpu.enqueue_dma source(%arg3 : memref<64x2xf32, #tpu.memory_space<hbm>>) target(%arg5 : memref<64x2xf32, #tpu.memory_space<vmem>>) target_semaphore(%run_scoped3A : memref<!tpu.dma_semaphore, #tpu.memory_space<semaphore_mem>>)
      tpu.wait_dma2 semaphore(%run_scoped3A : memref<!tpu.dma_semaphore, #tpu.memory_space<semaphore_mem>>) src(%arg3 : memref<64x2xf32, #tpu.memory_space<hbm>>) dst(%arg5 : memref<64x2xf32, #tpu.memory_space<vmem>>)
      tpu.yield
    }) : () -> ()
    %iota3A = tpu.iota {dimensions = array<i32: 0>} : vector<16xi32>
    %broadcast_in_dim3A = arith.constant 0 : i32
    %broadcast_in_dim3A_1 = vector.broadcast %broadcast_in_dim3A : i32 to vector<16xi32>
    %broadcast_in_dim3A_2 = arith.constant 1 : i32
    %broadcast_in_dim3A_3 = vector.broadcast %broadcast_in_dim3A_2 : i32 to vector<16xi32>
    %add3A_4 = arith.constant 0 : i32
    %add3A_5 = vector.broadcast %add3A_4 : i32 to vector<16xi32>
    %add3A_6 = arith.addi %iota3A, %add3A_5 : vector<16xi32>
    %add3A_7 = arith.constant 16 : i32
    %add3A_8 = vector.broadcast %add3A_7 : i32 to vector<16xi32>
    %add3A_9 = arith.addi %iota3A, %add3A_8 : vector<16xi32>
    %add3A_10 = arith.constant 32 : i32
    %add3A_11 = vector.broadcast %add3A_10 : i32 to vector<16xi32>
    %add3A_12 = arith.addi %iota3A, %add3A_11 : vector<16xi32>
    %add3A_13 = arith.constant 48 : i32
    %add3A_14 = vector.broadcast %add3A_13 : i32 to vector<16xi32>
    %add3A_15 = arith.addi %iota3A, %add3A_14 : vector<16xi32>
    %add3A_16 = arith.constant 64 : i32
    %add3A_17 = vector.broadcast %add3A_16 : i32 to vector<16xi32>
    %add3A_18 = arith.addi %iota3A, %add3A_17 : vector<16xi32>
    %add3A_19 = arith.constant 80 : i32
    %add3A_20 = vector.broadcast %add3A_19 : i32 to vector<16xi32>
    %add3A_21 = arith.addi %iota3A, %add3A_20 : vector<16xi32>
    %add3A_22 = arith.constant 96 : i32
    %add3A_23 = vector.broadcast %add3A_22 : i32 to vector<16xi32>
    %add3A_24 = arith.addi %iota3A, %add3A_23 : vector<16xi32>
    %add3A_25 = arith.constant 112 : i32
    %add3A_26 = vector.broadcast %add3A_25 : i32 to vector<16xi32>
    %add3A_27 = arith.addi %iota3A, %add3A_26 : vector<16xi32>
    %add3A_28 = arith.constant 0 : i32
    %add3A_29 = vector.broadcast %add3A_28 : i32 to vector<16xi32>
    %add3A_30 = arith.addi %iota3A, %add3A_29 : vector<16xi32>
    %add3A_31 = arith.constant 128 : i32
    %add3A_32 = vector.broadcast %add3A_31 : i32 to vector<16xi32>
    %add3A_33 = arith.addi %add3A_30, %add3A_32 : vector<16xi32>
    %add3A_34 = arith.constant 16 : i32
    %add3A_35 = vector.broadcast %add3A_34 : i32 to vector<16xi32>
    %add3A_36 = arith.addi %iota3A, %add3A_35 : vector<16xi32>
    %add3A_37 = arith.constant 128 : i32
    %add3A_38 = vector.broadcast %add3A_37 : i32 to vector<16xi32>
    %add3A_39 = arith.addi %add3A_36, %add3A_38 : vector<16xi32>
    %add3A_40 = arith.constant 32 : i32
    %add3A_41 = vector.broadcast %add3A_40 : i32 to vector<16xi32>
    %add3A_42 = arith.addi %iota3A, %add3A_41 : vector<16xi32>
    %add3A_43 = arith.constant 128 : i32
    %add3A_44 = vector.broadcast %add3A_43 : i32 to vector<16xi32>
    %add3A_45 = arith.addi %add3A_42, %add3A_44 : vector<16xi32>
    %add3A_46 = arith.constant 48 : i32
    %add3A_47 = vector.broadcast %add3A_46 : i32 to vector<16xi32>
    %add3A_48 = arith.addi %iota3A, %add3A_47 : vector<16xi32>
    %add3A_49 = arith.constant 128 : i32
    %add3A_50 = vector.broadcast %add3A_49 : i32 to vector<16xi32>
    %add3A_51 = arith.addi %add3A_48, %add3A_50 : vector<16xi32>
    %add3A_52 = arith.constant 64 : i32
    %add3A_53 = vector.broadcast %add3A_52 : i32 to vector<16xi32>
    %add3A_54 = arith.addi %iota3A, %add3A_53 : vector<16xi32>
    %add3A_55 = arith.constant 128 : i32
    %add3A_56 = vector.broadcast %add3A_55 : i32 to vector<16xi32>
    %add3A_57 = arith.addi %add3A_54, %add3A_56 : vector<16xi32>
    %add3A_58 = arith.constant 80 : i32
    %add3A_59 = vector.broadcast %add3A_58 : i32 to vector<16xi32>
    %add3A_60 = arith.addi %iota3A, %add3A_59 : vector<16xi32>
    %add3A_61 = arith.constant 128 : i32
    %add3A_62 = vector.broadcast %add3A_61 : i32 to vector<16xi32>
    %add3A_63 = arith.addi %add3A_60, %add3A_62 : vector<16xi32>
    %add3A_64 = arith.constant 96 : i32
    %add3A_65 = vector.broadcast %add3A_64 : i32 to vector<16xi32>
    %add3A_66 = arith.addi %iota3A, %add3A_65 : vector<16xi32>
    %add3A_67 = arith.constant 128 : i32
    %add3A_68 = vector.broadcast %add3A_67 : i32 to vector<16xi32>
    %add3A_69 = arith.addi %add3A_66, %add3A_68 : vector<16xi32>
    %add3A_70 = arith.constant 112 : i32
    %add3A_71 = vector.broadcast %add3A_70 : i32 to vector<16xi32>
    %add3A_72 = arith.addi %iota3A, %add3A_71 : vector<16xi32>
    %add3A_73 = arith.constant 128 : i32
    %add3A_74 = vector.broadcast %add3A_73 : i32 to vector<16xi32>
    %add3A_75 = arith.addi %add3A_72, %add3A_74 : vector<16xi32>
    %scan3A = arith.constant 0 : i32
    %scan3A_76 = arith.constant 0 : i32
    %scan3A_77 = arith.constant 4 : i32
    %scan3A_78 = arith.addi %scan3A_76, %scan3A_77 : i32
    %scan3A_79 = arith.constant 1 : i32
    %scan3A_80 = scf.for %scan3A_82 = %scan3A_76 to %scan3A_78 step %scan3A_79 iter_args(%scan3A_83 = %scan3A) -> (i32)  : i32 {
      %mul3A_84 = arith.constant 4 : i32
      %mul3A_85 = arith.muli %add3A, %mul3A_84 : i32
      %add3A_86 = arith.addi %mul3A_85, %scan3A_82 : i32
      %scan3A_87 = arith.constant 0 : i32
      %scan3A_88 = arith.constant 0 : i32
      %scan3A_89 = arith.constant 5 : i32
      %scan3A_90 = arith.addi %scan3A_88, %scan3A_89 : i32
      %scan3A_91 = arith.constant 1 : i32
      %scan3A_92 = scf.for %scan3A_95 = %scan3A_88 to %scan3A_90 step %scan3A_91 iter_args(%scan3A_96 = %scan3A_87) -> (i32)  : i32 {
        %mul3A_97 = arith.constant 5 : i32
        %mul3A_98 = arith.muli %scan3A_95, %mul3A_97 : i32
        "tpu.region"() ({
          %run_scoped3A = tpu.sem_alloc : memref<!tpu.dma_semaphore, #tpu.memory_space<semaphore_mem>>
          %dma_start3A = arith.constant 0 : i32
          %dma_start3A_109 = tpu.memref_slice %arg2[%mul3A_98, %add3A_86, %dma_start3A] : memref<25x128x1024xi32, #tpu.memory_space<hbm>> -> memref<5x1x1024xi32, #tpu.memory_space<hbm>>
          %dma_start3A_110 = arith.constant 0 : i32
          %dma_start3A_111 = tpu.memref_slice %arg2[%mul3A_98, %add3A_86, %dma_start3A_110] : memref<25x128x1024xi32, #tpu.memory_space<hbm>> -> memref<5x1x1024xi32, #tpu.memory_space<hbm>>
          tpu.enqueue_dma source(%dma_start3A_111 : memref<5x1x1024xi32, #tpu.memory_space<hbm>>) target(%arg6 : memref<5x1x1024xi32, #tpu.memory_space<vmem>>) target_semaphore(%run_scoped3A : memref<!tpu.dma_semaphore, #tpu.memory_space<semaphore_mem>>)
          %dma_wait3A = arith.constant 0 : i32
          %dma_wait3A_112 = tpu.memref_slice %arg2[%mul3A_98, %add3A_86, %dma_wait3A] : memref<25x128x1024xi32, #tpu.memory_space<hbm>> -> memref<5x1x1024xi32, #tpu.memory_space<hbm>>
          %dma_wait3A_113 = arith.constant 0 : i32
          %dma_wait3A_114 = tpu.memref_slice %arg2[%mul3A_98, %add3A_86, %dma_wait3A_113] : memref<25x128x1024xi32, #tpu.memory_space<hbm>> -> memref<5x1x1024xi32, #tpu.memory_space<hbm>>
          tpu.wait_dma2 semaphore(%run_scoped3A : memref<!tpu.dma_semaphore, #tpu.memory_space<semaphore_mem>>) src(%dma_wait3A_114 : memref<5x1x1024xi32, #tpu.memory_space<hbm>>) dst(%arg6 : memref<5x1x1024xi32, #tpu.memory_space<vmem>>)
          tpu.yield
        }) : () -> ()
        %scan3A_99 = arith.constant 0 : i32
        %scan3A_100 = arith.constant 0 : i32
        %scan3A_101 = arith.constant 5 : i32
        %scan3A_102 = arith.addi %scan3A_100, %scan3A_101 : i32
        %scan3A_103 = arith.constant 1 : i32
        %scan3A_104 = scf.for %scan3A_109 = %scan3A_100 to %scan3A_102 step %scan3A_103 iter_args(%scan3A_110 = %scan3A_99) -> (i32)  : i32 {
          %add3A_111 = vector.broadcast %scan3A_109 : i32 to vector<16xi32>
          %add3A_112 = arith.addi %broadcast_in_dim3A_1, %add3A_111 : vector<16xi32>
          %mul3A_113 = arith.constant 8 : i32
          %mul3A_114 = vector.broadcast %mul3A_113 : i32 to vector<16xi32>
          %mul3A_115 = arith.muli %add3A_112, %mul3A_114 : vector<16xi32>
          %add3A_116 = arith.constant 0 : i32
          %add3A_117 = vector.broadcast %add3A_116 : i32 to vector<16xi32>
          %add3A_118 = arith.addi %mul3A_115, %add3A_117 : vector<16xi32>
          %add3A_119 = arith.constant 0 : i32
          %add3A_120 = vector.broadcast %add3A_119 : i32 to vector<16xi32>
          %add3A_121 = arith.addi %add3A_6, %add3A_120 : vector<16xi32>
          %gather3A = tpu.vector_load_idx %arg6[%add3A_112, %broadcast_in_dim3A_1, %add3A_121] : memref<5x1x1024xi32, #tpu.memory_space<vmem>>[vector<16xi32>, vector<16xi32>, vector<16xi32>], vector<16xi32>,
          %gather3A_122 = tpu.vector_load_idx %arg5[%gather3A, %broadcast_in_dim3A_1] : memref<64x2xf32, #tpu.memory_space<vmem>>[vector<16xi32>, vector<16xi32>], vector<16xf32>,
          %gather3A_123 = tpu.vector_load_idx %arg5[%gather3A, %broadcast_in_dim3A_3] : memref<64x2xf32, #tpu.memory_space<vmem>>[vector<16xi32>, vector<16xi32>], vector<16xf32>,
          tpu.vector_store_idx %arg7[%add3A_118, %broadcast_in_dim3A_1, %add3A_6], %gather3A_122 : memref<40x1x256xf32, #tpu.memory_space<vmem>>[vector<16xi32>, vector<16xi32>, vector<16xi32>], vector<16xf32>,
          tpu.vector_store_idx %arg7[%add3A_118, %broadcast_in_dim3A_1, %add3A_33], %gather3A_123 : memref<40x1x256xf32, #tpu.memory_space<vmem>>[vector<16xi32>, vector<16xi32>, vector<16xi32>], vector<16xf32>,
          %add3A_124 = arith.constant 0 : i32
          %add3A_125 = vector.broadcast %add3A_124 : i32 to vector<16xi32>
          %add3A_126 = arith.addi %add3A_9, %add3A_125 : vector<16xi32>
          %gather3A_127 = tpu.vector_load_idx %arg6[%add3A_112, %broadcast_in_dim3A_1, %add3A_126] : memref<5x1x1024xi32, #tpu.memory_space<vmem>>[vector<16xi32>, vector<16xi32>, vector<16xi32>], vector<16xi32>,
          %gather3A_128 = tpu.vector_load_idx %arg5[%gather3A_127, %broadcast_in_dim3A_1] : memref<64x2xf32, #tpu.memory_space<vmem>>[vector<16xi32>, vector<16xi32>], vector<16xf32>,
          %gather3A_129 = tpu.vector_load_idx %arg5[%gather3A_127, %broadcast_in_dim3A_3] : memref<64x2xf32, #tpu.memory_space<vmem>>[vector<16xi32>, vector<16xi32>], vector<16xf32>,
          tpu.vector_store_idx %arg7[%add3A_118, %broadcast_in_dim3A_1, %add3A_9], %gather3A_128 : memref<40x1x256xf32, #tpu.memory_space<vmem>>[vector<16xi32>, vector<16xi32>, vector<16xi32>], vector<16xf32>,
          tpu.vector_store_idx %arg7[%add3A_118, %broadcast_in_dim3A_1, %add3A_39], %gather3A_129 : memref<40x1x256xf32, #tpu.memory_space<vmem>>[vector<16xi32>, vector<16xi32>, vector<16xi32>], vector<16xf32>,
          %add3A_130 = arith.constant 0 : i32
          %add3A_131 = vector.broadcast %add3A_130 : i32 to vector<16xi32>
          %add3A_132 = arith.addi %add3A_12, %add3A_131 : vector<16xi32>
          %gather3A_133 = tpu.vector_load_idx %arg6[%add3A_112, %broadcast_in_dim3A_1, %add3A_132] : memref<5x1x1024xi32, #tpu.memory_space<vmem>>[vector<16xi32>, vector<16xi32>, vector<16xi32>], vector<16xi32>,
          %gather3A_134 = tpu.vector_load_idx %arg5[%gather3A_133, %broadcast_in_dim3A_1] : memref<64x2xf32, #tpu.memory_space<vmem>>[vector<16xi32>, vector<16xi32>], vector<16xf32>,
          %gather3A_135 = tpu.vector_load_idx %arg5[%gather3A_133, %broadcast_in_dim3A_3] : memref<64x2xf32, #tpu.memory_space<vmem>>[vector<16xi32>, vector<16xi32>], vector<16xf32>,
          tpu.vector_store_idx %arg7[%add3A_118, %broadcast_in_dim3A_1, %add3A_12], %gather3A_134 : memref<40x1x256xf32, #tpu.memory_space<vmem>>[vector<16xi32>, vector<16xi32>, vector<16xi32>], vector<16xf32>,
          tpu.vector_store_idx %arg7[%add3A_118, %broadcast_in_dim3A_1, %add3A_45], %gather3A_135 : memref<40x1x256xf32, #tpu.memory_space<vmem>>[vector<16xi32>, vector<16xi32>, vector<16xi32>], vector<16xf32>,
          %add3A_136 = arith.constant 0 : i32
          %add3A_137 = vector.broadcast %add3A_136 : i32 to vector<16xi32>
          %add3A_138 = arith.addi %add3A_15, %add3A_137 : vector<16xi32>
          %gather3A_139 = tpu.vector_load_idx %arg6[%add3A_112, %broadcast_in_dim3A_1, %add3A_138] : memref<5x1x1024xi32, #tpu.memory_space<vmem>>[vector<16xi32>, vector<16xi32>, vector<16xi32>], vector<16xi32>,
          %gather3A_140 = tpu.vector_load_idx %arg5[%gather3A_139, %broadcast_in_dim3A_1] : memref<64x2xf32, #tpu.memory_space<vmem>>[vector<16xi32>, vector<16xi32>], vector<16xf32>,
          %gather3A_141 = tpu.vector_load_idx %arg5[%gather3A_139, %broadcast_in_dim3A_3] : memref<64x2xf32, #tpu.memory_space<vmem>>[vector<16xi32>, vector<16xi32>], vector<16xf32>,
          tpu.vector_store_idx %arg7[%add3A_118, %broadcast_in_dim3A_1, %add3A_15], %gather3A_140 : memref<40x1x256xf32, #tpu.memory_space<vmem>>[vector<16xi32>, vector<16xi32>, vector<16xi32>], vector<16xf32>,
          tpu.vector_store_idx %arg7[%add3A_118, %broadcast_in_dim3A_1, %add3A_51], %gather3A_141 : memref<40x1x256xf32, #tpu.memory_space<vmem>>[vector<16xi32>, vector<16xi32>, vector<16xi32>], vector<16xf32>,
          %add3A_142 = arith.constant 0 : i32
          %add3A_143 = vector.broadcast %add3A_142 : i32 to vector<16xi32>
          %add3A_144 = arith.addi %add3A_18, %add3A_143 : vector<16xi32>
          %gather3A_145 = tpu.vector_load_idx %arg6[%add3A_112, %broadcast_in_dim3A_1, %add3A_144] : memref<5x1x1024xi32, #tpu.memory_space<vmem>>[vector<16xi32>, vector<16xi32>, vector<16xi32>], vector<16xi32>,
          %gather3A_146 = tpu.vector_load_idx %arg5[%gather3A_145, %broadcast_in_dim3A_1] : memref<64x2xf32, #tpu.memory_space<vmem>>[vector<16xi32>, vector<16xi32>], vector<16xf32>,
          %gather3A_147 = tpu.vector_load_idx %arg5[%gather3A_145, %broadcast_in_dim3A_3] : memref<64x2xf32, #tpu.memory_space<vmem>>[vector<16xi32>, vector<16xi32>], vector<16xf32>,
          tpu.vector_store_idx %arg7[%add3A_118, %broadcast_in_dim3A_1, %add3A_18], %gather3A_146 : memref<40x1x256xf32, #tpu.memory_space<vmem>>[vector<16xi32>, vector<16xi32>, vector<16xi32>], vector<16xf32>,
          tpu.vector_store_idx %arg7[%add3A_118, %broadcast_in_dim3A_1, %add3A_57], %gather3A_147 : memref<40x1x256xf32, #tpu.memory_space<vmem>>[vector<16xi32>, vector<16xi32>, vector<16xi32>], vector<16xf32>,
          %add3A_148 = arith.constant 0 : i32
          %add3A_149 = vector.broadcast %add3A_148 : i32 to vector<16xi32>
          %add3A_150 = arith.addi %add3A_21, %add3A_149 : vector<16xi32>
          %gather3A_151 = tpu.vector_load_idx %arg6[%add3A_112, %broadcast_in_dim3A_1, %add3A_150] : memref<5x1x1024xi32, #tpu.memory_space<vmem>>[vector<16xi32>, vector<16xi32>, vector<16xi32>], vector<16xi32>,
          %gather3A_152 = tpu.vector_load_idx %arg5[%gather3A_151, %broadcast_in_dim3A_1] : memref<64x2xf32, #tpu.memory_space<vmem>>[vector<16xi32>, vector<16xi32>], vector<16xf32>,
          %gather3A_153 = tpu.vector_load_idx %arg5[%gather3A_151, %broadcast_in_dim3A_3] : memref<64x2xf32, #tpu.memory_space<vmem>>[vector<16xi32>, vector<16xi32>], vector<16xf32>,
          tpu.vector_store_idx %arg7[%add3A_118, %broadcast_in_dim3A_1, %add3A_21], %gather3A_152 : memref<40x1x256xf32, #tpu.memory_space<vmem>>[vector<16xi32>, vector<16xi32>, vector<16xi32>], vector<16xf32>,
          tpu.vector_store_idx %arg7[%add3A_118, %broadcast_in_dim3A_1, %add3A_63], %gather3A_153 : memref<40x1x256xf32, #tpu.memory_space<vmem>>[vector<16xi32>, vector<16xi32>, vector<16xi32>], vector<16xf32>,
          %add3A_154 = arith.constant 0 : i32
          %add3A_155 = vector.broadcast %add3A_154 : i32 to vector<16xi32>
          %add3A_156 = arith.addi %add3A_24, %add3A_155 : vector<16xi32>
          %gather3A_157 = tpu.vector_load_idx %arg6[%add3A_112, %broadcast_in_dim3A_1, %add3A_156] : memref<5x1x1024xi32, #tpu.memory_space<vmem>>[vector<16xi32>, vector<16xi32>, vector<16xi32>], vector<16xi32>,
          %gather3A_158 = tpu.vector_load_idx %arg5[%gather3A_157, %broadcast_in_dim3A_1] : memref<64x2xf32, #tpu.memory_space<vmem>>[vector<16xi32>, vector<16xi32>], vector<16xf32>,
          %gather3A_159 = tpu.vector_load_idx %arg5[%gather3A_157, %broadcast_in_dim3A_3] : memref<64x2xf32, #tpu.memory_space<vmem>>[vector<16xi32>, vector<16xi32>], vector<16xf32>,
          tpu.vector_store_idx %arg7[%add3A_118, %broadcast_in_dim3A_1, %add3A_24], %gather3A_158 : memref<40x1x256xf32, #tpu.memory_space<vmem>>[vector<16xi32>, vector<16xi32>, vector<16xi32>], vector<16xf32>,
          tpu.vector_store_idx %arg7[%add3A_118, %broadcast_in_dim3A_1, %add3A_69], %gather3A_159 : memref<40x1x256xf32, #tpu.memory_space<vmem>>[vector<16xi32>, vector<16xi32>, vector<16xi32>], vector<16xf32>,
          %add3A_160 = arith.constant 0 : i32
          %add3A_161 = vector.broadcast %add3A_160 : i32 to vector<16xi32>
          %add3A_162 = arith.addi %add3A_27, %add3A_161 : vector<16xi32>
          %gather3A_163 = tpu.vector_load_idx %arg6[%add3A_112, %broadcast_in_dim3A_1, %add3A_162] : memref<5x1x1024xi32, #tpu.memory_space<vmem>>[vector<16xi32>, vector<16xi32>, vector<16xi32>], vector<16xi32>,
          %gather3A_164 = tpu.vector_load_idx %arg5[%gather3A_163, %broadcast_in_dim3A_1] : memref<64x2xf32, #tpu.memory_space<vmem>>[vector<16xi32>, vector<16xi32>], vector<16xf32>,
          %gather3A_165 = tpu.vector_load_idx %arg5[%gather3A_163, %broadcast_in_dim3A_3] : memref<64x2xf32, #tpu.memory_space<vmem>>[vector<16xi32>, vector<16xi32>], vector<16xf32>,
          tpu.vector_store_idx %arg7[%add3A_118, %broadcast_in_dim3A_1, %add3A_27], %gather3A_164 : memref<40x1x256xf32, #tpu.memory_space<vmem>>[vector<16xi32>, vector<16xi32>, vector<16xi32>], vector<16xf32>,
          tpu.vector_store_idx %arg7[%add3A_118, %broadcast_in_dim3A_1, %add3A_75], %gather3A_165 : memref<40x1x256xf32, #tpu.memory_space<vmem>>[vector<16xi32>, vector<16xi32>, vector<16xi32>], vector<16xf32>,
          %mul3A_166 = arith.constant 8 : i32
          %mul3A_167 = vector.broadcast %mul3A_166 : i32 to vector<16xi32>
          %mul3A_168 = arith.muli %add3A_112, %mul3A_167 : vector<16xi32>
          %add3A_169 = arith.constant 1 : i32
          %add3A_170 = vector.broadcast %add3A_169 : i32 to vector<16xi32>
          %add3A_171 = arith.addi %mul3A_168, %add3A_170 : vector<16xi32>
          %add3A_172 = arith.constant 128 : i32
          %add3A_173 = vector.broadcast %add3A_172 : i32 to vector<16xi32>
          %add3A_174 = arith.addi %add3A_6, %add3A_173 : vector<16xi32>
          %gather3A_175 = tpu.vector_load_idx %arg6[%add3A_112, %broadcast_in_dim3A_1, %add3A_174] : memref<5x1x1024xi32, #tpu.memory_space<vmem>>[vector<16xi32>, vector<16xi32>, vector<16xi32>], vector<16xi32>,
          %gather3A_176 = tpu.vector_load_idx %arg5[%gather3A_175, %broadcast_in_dim3A_1] : memref<64x2xf32, #tpu.memory_space<vmem>>[vector<16xi32>, vector<16xi32>], vector<16xf32>,
          %gather3A_177 = tpu.vector_load_idx %arg5[%gather3A_175, %broadcast_in_dim3A_3] : memref<64x2xf32, #tpu.memory_space<vmem>>[vector<16xi32>, vector<16xi32>], vector<16xf32>,
          tpu.vector_store_idx %arg7[%add3A_171, %broadcast_in_dim3A_1, %add3A_6], %gather3A_176 : memref<40x1x256xf32, #tpu.memory_space<vmem>>[vector<16xi32>, vector<16xi32>, vector<16xi32>], vector<16xf32>,
          tpu.vector_store_idx %arg7[%add3A_171, %broadcast_in_dim3A_1, %add3A_33], %gather3A_177 : memref<40x1x256xf32, #tpu.memory_space<vmem>>[vector<16xi32>, vector<16xi32>, vector<16xi32>], vector<16xf32>,
          %add3A_178 = arith.constant 128 : i32
          %add3A_179 = vector.broadcast %add3A_178 : i32 to vector<16xi32>
          %add3A_180 = arith.addi %add3A_9, %add3A_179 : vector<16xi32>
          %gather3A_181 = tpu.vector_load_idx %arg6[%add3A_112, %broadcast_in_dim3A_1, %add3A_180] : memref<5x1x1024xi32, #tpu.memory_space<vmem>>[vector<16xi32>, vector<16xi32>, vector<16xi32>], vector<16xi32>,
          %gather3A_182 = tpu.vector_load_idx %arg5[%gather3A_181, %broadcast_in_dim3A_1] : memref<64x2xf32, #tpu.memory_space<vmem>>[vector<16xi32>, vector<16xi32>], vector<16xf32>,
          %gather3A_183 = tpu.vector_load_idx %arg5[%gather3A_181, %broadcast_in_dim3A_3] : memref<64x2xf32, #tpu.memory_space<vmem>>[vector<16xi32>, vector<16xi32>], vector<16xf32>,
          tpu.vector_store_idx %arg7[%add3A_171, %broadcast_in_dim3A_1, %add3A_9], %gather3A_182 : memref<40x1x256xf32, #tpu.memory_space<vmem>>[vector<16xi32>, vector<16xi32>, vector<16xi32>], vector<16xf32>,
          tpu.vector_store_idx %arg7[%add3A_171, %broadcast_in_dim3A_1, %add3A_39], %gather3A_183 : memref<40x1x256xf32, #tpu.memory_space<vmem>>[vector<16xi32>, vector<16xi32>, vector<16xi32>], vector<16xf32>,
          %add3A_184 = arith.constant 128 : i32
          %add3A_185 = vector.broadcast %add3A_184 : i32 to vector<16xi32>
          %add3A_186 = arith.addi %add3A_12, %add3A_185 : vector<16xi32>
          %gather3A_187 = tpu.vector_load_idx %arg6[%add3A_112, %broadcast_in_dim3A_1, %add3A_186] : memref<5x1x1024xi32, #tpu.memory_space<vmem>>[vector<16xi32>, vector<16xi32>, vector<16xi32>], vector<16xi32>,
          %gather3A_188 = tpu.vector_load_idx %arg5[%gather3A_187, %broadcast_in_dim3A_1] : memref<64x2xf32, #tpu.memory_space<vmem>>[vector<16xi32>, vector<16xi32>], vector<16xf32>,
          %gather3A_189 = tpu.vector_load_idx %arg5[%gather3A_187, %broadcast_in_dim3A_3] : memref<64x2xf32, #tpu.memory_space<vmem>>[vector<16xi32>, vector<16xi32>], vector<16xf32>,
          tpu.vector_store_idx %arg7[%add3A_171, %broadcast_in_dim3A_1, %add3A_12], %gather3A_188 : memref<40x1x256xf32, #tpu.memory_space<vmem>>[vector<16xi32>, vector<16xi32>, vector<16xi32>], vector<16xf32>,
          tpu.vector_store_idx %arg7[%add3A_171, %broadcast_in_dim3A_1, %add3A_45], %gather3A_189 : memref<40x1x256xf32, #tpu.memory_space<vmem>>[vector<16xi32>, vector<16xi32>, vector<16xi32>], vector<16xf32>,
          %add3A_190 = arith.constant 128 : i32
          %add3A_191 = vector.broadcast %add3A_190 : i32 to vector<16xi32>
          %add3A_192 = arith.addi %add3A_15, %add3A_191 : vector<16xi32>
          %gather3A_193 = tpu.vector_load_idx %arg6[%add3A_112, %broadcast_in_dim3A_1, %add3A_192] : memref<5x1x1024xi32, #tpu.memory_space<vmem>>[vector<16xi32>, vector<16xi32>, vector<16xi32>], vector<16xi32>,
          %gather3A_194 = tpu.vector_load_idx %arg5[%gather3A_193, %broadcast_in_dim3A_1] : memref<64x2xf32, #tpu.memory_space<vmem>>[vector<16xi32>, vector<16xi32>], vector<16xf32>,
          %gather3A_195 = tpu.vector_load_idx %arg5[%gather3A_193, %broadcast_in_dim3A_3] : memref<64x2xf32, #tpu.memory_space<vmem>>[vector<16xi32>, vector<16xi32>], vector<16xf32>,
          tpu.vector_store_idx %arg7[%add3A_171, %broadcast_in_dim3A_1, %add3A_15], %gather3A_194 : memref<40x1x256xf32, #tpu.memory_space<vmem>>[vector<16xi32>, vector<16xi32>, vector<16xi32>], vector<16xf32>,
          tpu.vector_store_idx %arg7[%add3A_171, %broadcast_in_dim3A_1, %add3A_51], %gather3A_195 : memref<40x1x256xf32, #tpu.memory_space<vmem>>[vector<16xi32>, vector<16xi32>, vector<16xi32>], vector<16xf32>,
          %add3A_196 = arith.constant 128 : i32
          %add3A_197 = vector.broadcast %add3A_196 : i32 to vector<16xi32>
          %add3A_198 = arith.addi %add3A_18, %add3A_197 : vector<16xi32>
          %gather3A_199 = tpu.vector_load_idx %arg6[%add3A_112, %broadcast_in_dim3A_1, %add3A_198] : memref<5x1x1024xi32, #tpu.memory_space<vmem>>[vector<16xi32>, vector<16xi32>, vector<16xi32>], vector<16xi32>,
          %gather3A_200 = tpu.vector_load_idx %arg5[%gather3A_199, %broadcast_in_dim3A_1] : memref<64x2xf32, #tpu.memory_space<vmem>>[vector<16xi32>, vector<16xi32>], vector<16xf32>,
          %gather3A_201 = tpu.vector_load_idx %arg5[%gather3A_199, %broadcast_in_dim3A_3] : memref<64x2xf32, #tpu.memory_space<vmem>>[vector<16xi32>, vector<16xi32>], vector<16xf32>,
          tpu.vector_store_idx %arg7[%add3A_171, %broadcast_in_dim3A_1, %add3A_18], %gather3A_200 : memref<40x1x256xf32, #tpu.memory_space<vmem>>[vector<16xi32>, vector<16xi32>, vector<16xi32>], vector<16xf32>,
          tpu.vector_store_idx %arg7[%add3A_171, %broadcast_in_dim3A_1, %add3A_57], %gather3A_201 : memref<40x1x256xf32, #tpu.memory_space<vmem>>[vector<16xi32>, vector<16xi32>, vector<16xi32>], vector<16xf32>,
          %add3A_202 = arith.constant 128 : i32
          %add3A_203 = vector.broadcast %add3A_202 : i32 to vector<16xi32>
          %add3A_204 = arith.addi %add3A_21, %add3A_203 : vector<16xi32>
          %gather3A_205 = tpu.vector_load_idx %arg6[%add3A_112, %broadcast_in_dim3A_1, %add3A_204] : memref<5x1x1024xi32, #tpu.memory_space<vmem>>[vector<16xi32>, vector<16xi32>, vector<16xi32>], vector<16xi32>,
          %gather3A_206 = tpu.vector_load_idx %arg5[%gather3A_205, %broadcast_in_dim3A_1] : memref<64x2xf32, #tpu.memory_space<vmem>>[vector<16xi32>, vector<16xi32>], vector<16xf32>,
          %gather3A_207 = tpu.vector_load_idx %arg5[%gather3A_205, %broadcast_in_dim3A_3] : memref<64x2xf32, #tpu.memory_space<vmem>>[vector<16xi32>, vector<16xi32>], vector<16xf32>,
          tpu.vector_store_idx %arg7[%add3A_171, %broadcast_in_dim3A_1, %add3A_21], %gather3A_206 : memref<40x1x256xf32, #tpu.memory_space<vmem>>[vector<16xi32>, vector<16xi32>, vector<16xi32>], vector<16xf32>,
          tpu.vector_store_idx %arg7[%add3A_171, %broadcast_in_dim3A_1, %add3A_63], %gather3A_207 : memref<40x1x256xf32, #tpu.memory_space<vmem>>[vector<16xi32>, vector<16xi32>, vector<16xi32>], vector<16xf32>,
          %add3A_208 = arith.constant 128 : i32
          %add3A_209 = vector.broadcast %add3A_208 : i32 to vector<16xi32>
          %add3A_210 = arith.addi %add3A_24, %add3A_209 : vector<16xi32>
          %gather3A_211 = tpu.vector_load_idx %arg6[%add3A_112, %broadcast_in_dim3A_1, %add3A_210] : memref<5x1x1024xi32, #tpu.memory_space<vmem>>[vector<16xi32>, vector<16xi32>, vector<16xi32>], vector<16xi32>,
          %gather3A_212 = tpu.vector_load_idx %arg5[%gather3A_211, %broadcast_in_dim3A_1] : memref<64x2xf32, #tpu.memory_space<vmem>>[vector<16xi32>, vector<16xi32>], vector<16xf32>,
          %gather3A_213 = tpu.vector_load_idx %arg5[%gather3A_211, %broadcast_in_dim3A_3] : memref<64x2xf32, #tpu.memory_space<vmem>>[vector<16xi32>, vector<16xi32>], vector<16xf32>,
          tpu.vector_store_idx %arg7[%add3A_171, %broadcast_in_dim3A_1, %add3A_24], %gather3A_212 : memref<40x1x256xf32, #tpu.memory_space<vmem>>[vector<16xi32>, vector<16xi32>, vector<16xi32>], vector<16xf32>,
          tpu.vector_store_idx %arg7[%add3A_171, %broadcast_in_dim3A_1, %add3A_69], %gather3A_213 : memref<40x1x256xf32, #tpu.memory_space<vmem>>[vector<16xi32>, vector<16xi32>, vector<16xi32>], vector<16xf32>,
          %add3A_214 = arith.constant 128 : i32
          %add3A_215 = vector.broadcast %add3A_214 : i32 to vector<16xi32>
          %add3A_216 = arith.addi %add3A_27, %add3A_215 : vector<16xi32>
          %gather3A_217 = tpu.vector_load_idx %arg6[%add3A_112, %broadcast_in_dim3A_1, %add3A_216] : memref<5x1x1024xi32, #tpu.memory_space<vmem>>[vector<16xi32>, vector<16xi32>, vector<16xi32>], vector<16xi32>,
          %gather3A_218 = tpu.vector_load_idx %arg5[%gather3A_217, %broadcast_in_dim3A_1] : memref<64x2xf32, #tpu.memory_space<vmem>>[vector<16xi32>, vector<16xi32>], vector<16xf32>,
          %gather3A_219 = tpu.vector_load_idx %arg5[%gather3A_217, %broadcast_in_dim3A_3] : memref<64x2xf32, #tpu.memory_space<vmem>>[vector<16xi32>, vector<16xi32>], vector<16xf32>,
          tpu.vector_store_idx %arg7[%add3A_171, %broadcast_in_dim3A_1, %add3A_27], %gather3A_218 : memref<40x1x256xf32, #tpu.memory_space<vmem>>[vector<16xi32>, vector<16xi32>, vector<16xi32>], vector<16xf32>,
          tpu.vector_store_idx %arg7[%add3A_171, %broadcast_in_dim3A_1, %add3A_75], %gather3A_219 : memref<40x1x256xf32, #tpu.memory_space<vmem>>[vector<16xi32>, vector<16xi32>, vector<16xi32>], vector<16xf32>,
          %mul3A_220 = arith.constant 8 : i32
          %mul3A_221 = vector.broadcast %mul3A_220 : i32 to vector<16xi32>
          %mul3A_222 = arith.muli %add3A_112, %mul3A_221 : vector<16xi32>
          %add3A_223 = arith.constant 2 : i32
          %add3A_224 = vector.broadcast %add3A_223 : i32 to vector<16xi32>
          %add3A_225 = arith.addi %mul3A_222, %add3A_224 : vector<16xi32>
          %add3A_226 = arith.constant 256 : i32
          %add3A_227 = vector.broadcast %add3A_226 : i32 to vector<16xi32>
          %add3A_228 = arith.addi %add3A_6, %add3A_227 : vector<16xi32>
          %gather3A_229 = tpu.vector_load_idx %arg6[%add3A_112, %broadcast_in_dim3A_1, %add3A_228] : memref<5x1x1024xi32, #tpu.memory_space<vmem>>[vector<16xi32>, vector<16xi32>, vector<16xi32>], vector<16xi32>,
          %gather3A_230 = tpu.vector_load_idx %arg5[%gather3A_229, %broadcast_in_dim3A_1] : memref<64x2xf32, #tpu.memory_space<vmem>>[vector<16xi32>, vector<16xi32>], vector<16xf32>,
          %gather3A_231 = tpu.vector_load_idx %arg5[%gather3A_229, %broadcast_in_dim3A_3] : memref<64x2xf32, #tpu.memory_space<vmem>>[vector<16xi32>, vector<16xi32>], vector<16xf32>,
          tpu.vector_store_idx %arg7[%add3A_225, %broadcast_in_dim3A_1, %add3A_6], %gather3A_230 : memref<40x1x256xf32, #tpu.memory_space<vmem>>[vector<16xi32>, vector<16xi32>, vector<16xi32>], vector<16xf32>,
          tpu.vector_store_idx %arg7[%add3A_225, %broadcast_in_dim3A_1, %add3A_33], %gather3A_231 : memref<40x1x256xf32, #tpu.memory_space<vmem>>[vector<16xi32>, vector<16xi32>, vector<16xi32>], vector<16xf32>,
          %add3A_232 = arith.constant 256 : i32
          %add3A_233 = vector.broadcast %add3A_232 : i32 to vector<16xi32>
          %add3A_234 = arith.addi %add3A_9, %add3A_233 : vector<16xi32>
          %gather3A_235 = tpu.vector_load_idx %arg6[%add3A_112, %broadcast_in_dim3A_1, %add3A_234] : memref<5x1x1024xi32, #tpu.memory_space<vmem>>[vector<16xi32>, vector<16xi32>, vector<16xi32>], vector<16xi32>,
          %gather3A_236 = tpu.vector_load_idx %arg5[%gather3A_235, %broadcast_in_dim3A_1] : memref<64x2xf32, #tpu.memory_space<vmem>>[vector<16xi32>, vector<16xi32>], vector<16xf32>,
          %gather3A_237 = tpu.vector_load_idx %arg5[%gather3A_235, %broadcast_in_dim3A_3] : memref<64x2xf32, #tpu.memory_space<vmem>>[vector<16xi32>, vector<16xi32>], vector<16xf32>,
          tpu.vector_store_idx %arg7[%add3A_225, %broadcast_in_dim3A_1, %add3A_9], %gather3A_236 : memref<40x1x256xf32, #tpu.memory_space<vmem>>[vector<16xi32>, vector<16xi32>, vector<16xi32>], vector<16xf32>,
          tpu.vector_store_idx %arg7[%add3A_225, %broadcast_in_dim3A_1, %add3A_39], %gather3A_237 : memref<40x1x256xf32, #tpu.memory_space<vmem>>[vector<16xi32>, vector<16xi32>, vector<16xi32>], vector<16xf32>,
          %add3A_238 = arith.constant 256 : i32
          %add3A_239 = vector.broadcast %add3A_238 : i32 to vector<16xi32>
          %add3A_240 = arith.addi %add3A_12, %add3A_239 : vector<16xi32>
          %gather3A_241 = tpu.vector_load_idx %arg6[%add3A_112, %broadcast_in_dim3A_1, %add3A_240] : memref<5x1x1024xi32, #tpu.memory_space<vmem>>[vector<16xi32>, vector<16xi32>, vector<16xi32>], vector<16xi32>,
          %gather3A_242 = tpu.vector_load_idx %arg5[%gather3A_241, %broadcast_in_dim3A_1] : memref<64x2xf32, #tpu.memory_space<vmem>>[vector<16xi32>, vector<16xi32>], vector<16xf32>,
          %gather3A_243 = tpu.vector_load_idx %arg5[%gather3A_241, %broadcast_in_dim3A_3] : memref<64x2xf32, #tpu.memory_space<vmem>>[vector<16xi32>, vector<16xi32>], vector<16xf32>,
          tpu.vector_store_idx %arg7[%add3A_225, %broadcast_in_dim3A_1, %add3A_12], %gather3A_242 : memref<40x1x256xf32, #tpu.memory_space<vmem>>[vector<16xi32>, vector<16xi32>, vector<16xi32>], vector<16xf32>,
          tpu.vector_store_idx %arg7[%add3A_225, %broadcast_in_dim3A_1, %add3A_45], %gather3A_243 : memref<40x1x256xf32, #tpu.memory_space<vmem>>[vector<16xi32>, vector<16xi32>, vector<16xi32>], vector<16xf32>,
          %add3A_244 = arith.constant 256 : i32
          %add3A_245 = vector.broadcast %add3A_244 : i32 to vector<16xi32>
          %add3A_246 = arith.addi %add3A_15, %add3A_245 : vector<16xi32>
          %gather3A_247 = tpu.vector_load_idx %arg6[%add3A_112, %broadcast_in_dim3A_1, %add3A_246] : memref<5x1x1024xi32, #tpu.memory_space<vmem>>[vector<16xi32>, vector<16xi32>, vector<16xi32>], vector<16xi32>,
          %gather3A_248 = tpu.vector_load_idx %arg5[%gather3A_247, %broadcast_in_dim3A_1] : memref<64x2xf32, #tpu.memory_space<vmem>>[vector<16xi32>, vector<16xi32>], vector<16xf32>,
          %gather3A_249 = tpu.vector_load_idx %arg5[%gather3A_247, %broadcast_in_dim3A_3] : memref<64x2xf32, #tpu.memory_space<vmem>>[vector<16xi32>, vector<16xi32>], vector<16xf32>,
          tpu.vector_store_idx %arg7[%add3A_225, %broadcast_in_dim3A_1, %add3A_15], %gather3A_248 : memref<40x1x256xf32, #tpu.memory_space<vmem>>[vector<16xi32>, vector<16xi32>, vector<16xi32>], vector<16xf32>,
          tpu.vector_store_idx %arg7[%add3A_225, %broadcast_in_dim3A_1, %add3A_51], %gather3A_249 : memref<40x1x256xf32, #tpu.memory_space<vmem>>[vector<16xi32>, vector<16xi32>, vector<16xi32>], vector<16xf32>,
          %add3A_250 = arith.constant 256 : i32
          %add3A_251 = vector.broadcast %add3A_250 : i32 to vector<16xi32>
          %add3A_252 = arith.addi %add3A_18, %add3A_251 : vector<16xi32>
          %gather3A_253 = tpu.vector_load_idx %arg6[%add3A_112, %broadcast_in_dim3A_1, %add3A_252] : memref<5x1x1024xi32, #tpu.memory_space<vmem>>[vector<16xi32>, vector<16xi32>, vector<16xi32>], vector<16xi32>,
          %gather3A_254 = tpu.vector_load_idx %arg5[%gather3A_253, %broadcast_in_dim3A_1] : memref<64x2xf32, #tpu.memory_space<vmem>>[vector<16xi32>, vector<16xi32>], vector<16xf32>,
          %gather3A_255 = tpu.vector_load_idx %arg5[%gather3A_253, %broadcast_in_dim3A_3] : memref<64x2xf32, #tpu.memory_space<vmem>>[vector<16xi32>, vector<16xi32>], vector<16xf32>,
          tpu.vector_store_idx %arg7[%add3A_225, %broadcast_in_dim3A_1, %add3A_18], %gather3A_254 : memref<40x1x256xf32, #tpu.memory_space<vmem>>[vector<16xi32>, vector<16xi32>, vector<16xi32>], vector<16xf32>,
          tpu.vector_store_idx %arg7[%add3A_225, %broadcast_in_dim3A_1, %add3A_57], %gather3A_255 : memref<40x1x256xf32, #tpu.memory_space<vmem>>[vector<16xi32>, vector<16xi32>, vector<16xi32>], vector<16xf32>,
          %add3A_256 = arith.constant 256 : i32
          %add3A_257 = vector.broadcast %add3A_256 : i32 to vector<16xi32>
          %add3A_258 = arith.addi %add3A_21, %add3A_257 : vector<16xi32>
          %gather3A_259 = tpu.vector_load_idx %arg6[%add3A_112, %broadcast_in_dim3A_1, %add3A_258] : memref<5x1x1024xi32, #tpu.memory_space<vmem>>[vector<16xi32>, vector<16xi32>, vector<16xi32>], vector<16xi32>,
          %gather3A_260 = tpu.vector_load_idx %arg5[%gather3A_259, %broadcast_in_dim3A_1] : memref<64x2xf32, #tpu.memory_space<vmem>>[vector<16xi32>, vector<16xi32>], vector<16xf32>,
          %gather3A_261 = tpu.vector_load_idx %arg5[%gather3A_259, %broadcast_in_dim3A_3] : memref<64x2xf32, #tpu.memory_space<vmem>>[vector<16xi32>, vector<16xi32>], vector<16xf32>,
          tpu.vector_store_idx %arg7[%add3A_225, %broadcast_in_dim3A_1, %add3A_21], %gather3A_260 : memref<40x1x256xf32, #tpu.memory_space<vmem>>[vector<16xi32>, vector<16xi32>, vector<16xi32>], vector<16xf32>,
          tpu.vector_store_idx %arg7[%add3A_225, %broadcast_in_dim3A_1, %add3A_63], %gather3A_261 : memref<40x1x256xf32, #tpu.memory_space<vmem>>[vector<16xi32>, vector<16xi32>, vector<16xi32>], vector<16xf32>,
          %add3A_262 = arith.constant 256 : i32
          %add3A_263 = vector.broadcast %add3A_262 : i32 to vector<16xi32>
          %add3A_264 = arith.addi %add3A_24, %add3A_263 : vector<16xi32>
          %gather3A_265 = tpu.vector_load_idx %arg6[%add3A_112, %broadcast_in_dim3A_1, %add3A_264] : memref<5x1x1024xi32, #tpu.memory_space<vmem>>[vector<16xi32>, vector<16xi32>, vector<16xi32>], vector<16xi32>,
          %gather3A_266 = tpu.vector_load_idx %arg5[%gather3A_265, %broadcast_in_dim3A_1] : memref<64x2xf32, #tpu.memory_space<vmem>>[vector<16xi32>, vector<16xi32>], vector<16xf32>,
          %gather3A_267 = tpu.vector_load_idx %arg5[%gather3A_265, %broadcast_in_dim3A_3] : memref<64x2xf32, #tpu.memory_space<vmem>>[vector<16xi32>, vector<16xi32>], vector<16xf32>,
          tpu.vector_store_idx %arg7[%add3A_225, %broadcast_in_dim3A_1, %add3A_24], %gather3A_266 : memref<40x1x256xf32, #tpu.memory_space<vmem>>[vector<16xi32>, vector<16xi32>, vector<16xi32>], vector<16xf32>,
          tpu.vector_store_idx %arg7[%add3A_225, %broadcast_in_dim3A_1, %add3A_69], %gather3A_267 : memref<40x1x256xf32, #tpu.memory_space<vmem>>[vector<16xi32>, vector<16xi32>, vector<16xi32>], vector<16xf32>,
          %add3A_268 = arith.constant 256 : i32
          %add3A_269 = vector.broadcast %add3A_268 : i32 to vector<16xi32>
          %add3A_270 = arith.addi %add3A_27, %add3A_269 : vector<16xi32>
          %gather3A_271 = tpu.vector_load_idx %arg6[%add3A_112, %broadcast_in_dim3A_1, %add3A_270] : memref<5x1x1024xi32, #tpu.memory_space<vmem>>[vector<16xi32>, vector<16xi32>, vector<16xi32>], vector<16xi32>,
          %gather3A_272 = tpu.vector_load_idx %arg5[%gather3A_271, %broadcast_in_dim3A_1] : memref<64x2xf32, #tpu.memory_space<vmem>>[vector<16xi32>, vector<16xi32>], vector<16xf32>,
          %gather3A_273 = tpu.vector_load_idx %arg5[%gather3A_271, %broadcast_in_dim3A_3] : memref<64x2xf32, #tpu.memory_space<vmem>>[vector<16xi32>, vector<16xi32>], vector<16xf32>,
          tpu.vector_store_idx %arg7[%add3A_225, %broadcast_in_dim3A_1, %add3A_27], %gather3A_272 : memref<40x1x256xf32, #tpu.memory_space<vmem>>[vector<16xi32>, vector<16xi32>, vector<16xi32>], vector<16xf32>,
          tpu.vector_store_idx %arg7[%add3A_225, %broadcast_in_dim3A_1, %add3A_75], %gather3A_273 : memref<40x1x256xf32, #tpu.memory_space<vmem>>[vector<16xi32>, vector<16xi32>, vector<16xi32>], vector<16xf32>,
          %mul3A_274 = arith.constant 8 : i32
          %mul3A_275 = vector.broadcast %mul3A_274 : i32 to vector<16xi32>
          %mul3A_276 = arith.muli %add3A_112, %mul3A_275 : vector<16xi32>
          %add3A_277 = arith.constant 3 : i32
          %add3A_278 = vector.broadcast %add3A_277 : i32 to vector<16xi32>
          %add3A_279 = arith.addi %mul3A_276, %add3A_278 : vector<16xi32>
          %add3A_280 = arith.constant 384 : i32
          %add3A_281 = vector.broadcast %add3A_280 : i32 to vector<16xi32>
          %add3A_282 = arith.addi %add3A_6, %add3A_281 : vector<16xi32>
          %gather3A_283 = tpu.vector_load_idx %arg6[%add3A_112, %broadcast_in_dim3A_1, %add3A_282] : memref<5x1x1024xi32, #tpu.memory_space<vmem>>[vector<16xi32>, vector<16xi32>, vector<16xi32>], vector<16xi32>,
          %gather3A_284 = tpu.vector_load_idx %arg5[%gather3A_283, %broadcast_in_dim3A_1] : memref<64x2xf32, #tpu.memory_space<vmem>>[vector<16xi32>, vector<16xi32>], vector<16xf32>,
          %gather3A_285 = tpu.vector_load_idx %arg5[%gather3A_283, %broadcast_in_dim3A_3] : memref<64x2xf32, #tpu.memory_space<vmem>>[vector<16xi32>, vector<16xi32>], vector<16xf32>,
          tpu.vector_store_idx %arg7[%add3A_279, %broadcast_in_dim3A_1, %add3A_6], %gather3A_284 : memref<40x1x256xf32, #tpu.memory_space<vmem>>[vector<16xi32>, vector<16xi32>, vector<16xi32>], vector<16xf32>,
          tpu.vector_store_idx %arg7[%add3A_279, %broadcast_in_dim3A_1, %add3A_33], %gather3A_285 : memref<40x1x256xf32, #tpu.memory_space<vmem>>[vector<16xi32>, vector<16xi32>, vector<16xi32>], vector<16xf32>,
          %add3A_286 = arith.constant 384 : i32
          %add3A_287 = vector.broadcast %add3A_286 : i32 to vector<16xi32>
          %add3A_288 = arith.addi %add3A_9, %add3A_287 : vector<16xi32>
          %gather3A_289 = tpu.vector_load_idx %arg6[%add3A_112, %broadcast_in_dim3A_1, %add3A_288] : memref<5x1x1024xi32, #tpu.memory_space<vmem>>[vector<16xi32>, vector<16xi32>, vector<16xi32>], vector<16xi32>,
          %gather3A_290 = tpu.vector_load_idx %arg5[%gather3A_289, %broadcast_in_dim3A_1] : memref<64x2xf32, #tpu.memory_space<vmem>>[vector<16xi32>, vector<16xi32>], vector<16xf32>,
          %gather3A_291 = tpu.vector_load_idx %arg5[%gather3A_289, %broadcast_in_dim3A_3] : memref<64x2xf32, #tpu.memory_space<vmem>>[vector<16xi32>, vector<16xi32>], vector<16xf32>,
          tpu.vector_store_idx %arg7[%add3A_279, %broadcast_in_dim3A_1, %add3A_9], %gather3A_290 : memref<40x1x256xf32, #tpu.memory_space<vmem>>[vector<16xi32>, vector<16xi32>, vector<16xi32>], vector<16xf32>,
          tpu.vector_store_idx %arg7[%add3A_279, %broadcast_in_dim3A_1, %add3A_39], %gather3A_291 : memref<40x1x256xf32, #tpu.memory_space<vmem>>[vector<16xi32>, vector<16xi32>, vector<16xi32>], vector<16xf32>,
          %add3A_292 = arith.constant 384 : i32
          %add3A_293 = vector.broadcast %add3A_292 : i32 to vector<16xi32>
          %add3A_294 = arith.addi %add3A_12, %add3A_293 : vector<16xi32>
          %gather3A_295 = tpu.vector_load_idx %arg6[%add3A_112, %broadcast_in_dim3A_1, %add3A_294] : memref<5x1x1024xi32, #tpu.memory_space<vmem>>[vector<16xi32>, vector<16xi32>, vector<16xi32>], vector<16xi32>,
          %gather3A_296 = tpu.vector_load_idx %arg5[%gather3A_295, %broadcast_in_dim3A_1] : memref<64x2xf32, #tpu.memory_space<vmem>>[vector<16xi32>, vector<16xi32>], vector<16xf32>,
          %gather3A_297 = tpu.vector_load_idx %arg5[%gather3A_295, %broadcast_in_dim3A_3] : memref<64x2xf32, #tpu.memory_space<vmem>>[vector<16xi32>, vector<16xi32>], vector<16xf32>,
          tpu.vector_store_idx %arg7[%add3A_279, %broadcast_in_dim3A_1, %add3A_12], %gather3A_296 : memref<40x1x256xf32, #tpu.memory_space<vmem>>[vector<16xi32>, vector<16xi32>, vector<16xi32>], vector<16xf32>,
          tpu.vector_store_idx %arg7[%add3A_279, %broadcast_in_dim3A_1, %add3A_45], %gather3A_297 : memref<40x1x256xf32, #tpu.memory_space<vmem>>[vector<16xi32>, vector<16xi32>, vector<16xi32>], vector<16xf32>,
          %add3A_298 = arith.constant 384 : i32
          %add3A_299 = vector.broadcast %add3A_298 : i32 to vector<16xi32>
          %add3A_300 = arith.addi %add3A_15, %add3A_299 : vector<16xi32>
          %gather3A_301 = tpu.vector_load_idx %arg6[%add3A_112, %broadcast_in_dim3A_1, %add3A_300] : memref<5x1x1024xi32, #tpu.memory_space<vmem>>[vector<16xi32>, vector<16xi32>, vector<16xi32>], vector<16xi32>,
          %gather3A_302 = tpu.vector_load_idx %arg5[%gather3A_301, %broadcast_in_dim3A_1] : memref<64x2xf32, #tpu.memory_space<vmem>>[vector<16xi32>, vector<16xi32>], vector<16xf32>,
          %gather3A_303 = tpu.vector_load_idx %arg5[%gather3A_301, %broadcast_in_dim3A_3] : memref<64x2xf32, #tpu.memory_space<vmem>>[vector<16xi32>, vector<16xi32>], vector<16xf32>,
          tpu.vector_store_idx %arg7[%add3A_279, %broadcast_in_dim3A_1, %add3A_15], %gather3A_302 : memref<40x1x256xf32, #tpu.memory_space<vmem>>[vector<16xi32>, vector<16xi32>, vector<16xi32>], vector<16xf32>,
          tpu.vector_store_idx %arg7[%add3A_279, %broadcast_in_dim3A_1, %add3A_51], %gather3A_303 : memref<40x1x256xf32, #tpu.memory_space<vmem>>[vector<16xi32>, vector<16xi32>, vector<16xi32>], vector<16xf32>,
          %add3A_304 = arith.constant 384 : i32
          %add3A_305 = vector.broadcast %add3A_304 : i32 to vector<16xi32>
          %add3A_306 = arith.addi %add3A_18, %add3A_305 : vector<16xi32>
          %gather3A_307 = tpu.vector_load_idx %arg6[%add3A_112, %broadcast_in_dim3A_1, %add3A_306] : memref<5x1x1024xi32, #tpu.memory_space<vmem>>[vector<16xi32>, vector<16xi32>, vector<16xi32>], vector<16xi32>,
          %gather3A_308 = tpu.vector_load_idx %arg5[%gather3A_307, %broadcast_in_dim3A_1] : memref<64x2xf32, #tpu.memory_space<vmem>>[vector<16xi32>, vector<16xi32>], vector<16xf32>,
          %gather3A_309 = tpu.vector_load_idx %arg5[%gather3A_307, %broadcast_in_dim3A_3] : memref<64x2xf32, #tpu.memory_space<vmem>>[vector<16xi32>, vector<16xi32>], vector<16xf32>,
          tpu.vector_store_idx %arg7[%add3A_279, %broadcast_in_dim3A_1, %add3A_18], %gather3A_308 : memref<40x1x256xf32, #tpu.memory_space<vmem>>[vector<16xi32>, vector<16xi32>, vector<16xi32>], vector<16xf32>,
          tpu.vector_store_idx %arg7[%add3A_279, %broadcast_in_dim3A_1, %add3A_57], %gather3A_309 : memref<40x1x256xf32, #tpu.memory_space<vmem>>[vector<16xi32>, vector<16xi32>, vector<16xi32>], vector<16xf32>,
          %add3A_310 = arith.constant 384 : i32
          %add3A_311 = vector.broadcast %add3A_310 : i32 to vector<16xi32>
          %add3A_312 = arith.addi %add3A_21, %add3A_311 : vector<16xi32>
          %gather3A_313 = tpu.vector_load_idx %arg6[%add3A_112, %broadcast_in_dim3A_1, %add3A_312] : memref<5x1x1024xi32, #tpu.memory_space<vmem>>[vector<16xi32>, vector<16xi32>, vector<16xi32>], vector<16xi32>,
          %gather3A_314 = tpu.vector_load_idx %arg5[%gather3A_313, %broadcast_in_dim3A_1] : memref<64x2xf32, #tpu.memory_space<vmem>>[vector<16xi32>, vector<16xi32>], vector<16xf32>,
          %gather3A_315 = tpu.vector_load_idx %arg5[%gather3A_313, %broadcast_in_dim3A_3] : memref<64x2xf32, #tpu.memory_space<vmem>>[vector<16xi32>, vector<16xi32>], vector<16xf32>,
          tpu.vector_store_idx %arg7[%add3A_279, %broadcast_in_dim3A_1, %add3A_21], %gather3A_314 : memref<40x1x256xf32, #tpu.memory_space<vmem>>[vector<16xi32>, vector<16xi32>, vector<16xi32>], vector<16xf32>,
          tpu.vector_store_idx %arg7[%add3A_279, %broadcast_in_dim3A_1, %add3A_63], %gather3A_315 : memref<40x1x256xf32, #tpu.memory_space<vmem>>[vector<16xi32>, vector<16xi32>, vector<16xi32>], vector<16xf32>,
          %add3A_316 = arith.constant 384 : i32
          %add3A_317 = vector.broadcast %add3A_316 : i32 to vector<16xi32>
          %add3A_318 = arith.addi %add3A_24, %add3A_317 : vector<16xi32>
          %gather3A_319 = tpu.vector_load_idx %arg6[%add3A_112, %broadcast_in_dim3A_1, %add3A_318] : memref<5x1x1024xi32, #tpu.memory_space<vmem>>[vector<16xi32>, vector<16xi32>, vector<16xi32>], vector<16xi32>,
          %gather3A_320 = tpu.vector_load_idx %arg5[%gather3A_319, %broadcast_in_dim3A_1] : memref<64x2xf32, #tpu.memory_space<vmem>>[vector<16xi32>, vector<16xi32>], vector<16xf32>,
          %gather3A_321 = tpu.vector_load_idx %arg5[%gather3A_319, %broadcast_in_dim3A_3] : memref<64x2xf32, #tpu.memory_space<vmem>>[vector<16xi32>, vector<16xi32>], vector<16xf32>,
          tpu.vector_store_idx %arg7[%add3A_279, %broadcast_in_dim3A_1, %add3A_24], %gather3A_320 : memref<40x1x256xf32, #tpu.memory_space<vmem>>[vector<16xi32>, vector<16xi32>, vector<16xi32>], vector<16xf32>,
          tpu.vector_store_idx %arg7[%add3A_279, %broadcast_in_dim3A_1, %add3A_69], %gather3A_321 : memref<40x1x256xf32, #tpu.memory_space<vmem>>[vector<16xi32>, vector<16xi32>, vector<16xi32>], vector<16xf32>,
          %add3A_322 = arith.constant 384 : i32
          %add3A_323 = vector.broadcast %add3A_322 : i32 to vector<16xi32>
          %add3A_324 = arith.addi %add3A_27, %add3A_323 : vector<16xi32>
          %gather3A_325 = tpu.vector_load_idx %arg6[%add3A_112, %broadcast_in_dim3A_1, %add3A_324] : memref<5x1x1024xi32, #tpu.memory_space<vmem>>[vector<16xi32>, vector<16xi32>, vector<16xi32>], vector<16xi32>,
          %gather3A_326 = tpu.vector_load_idx %arg5[%gather3A_325, %broadcast_in_dim3A_1] : memref<64x2xf32, #tpu.memory_space<vmem>>[vector<16xi32>, vector<16xi32>], vector<16xf32>,
          %gather3A_327 = tpu.vector_load_idx %arg5[%gather3A_325, %broadcast_in_dim3A_3] : memref<64x2xf32, #tpu.memory_space<vmem>>[vector<16xi32>, vector<16xi32>], vector<16xf32>,
          tpu.vector_store_idx %arg7[%add3A_279, %broadcast_in_dim3A_1, %add3A_27], %gather3A_326 : memref<40x1x256xf32, #tpu.memory_space<vmem>>[vector<16xi32>, vector<16xi32>, vector<16xi32>], vector<16xf32>,
          tpu.vector_store_idx %arg7[%add3A_279, %broadcast_in_dim3A_1, %add3A_75], %gather3A_327 : memref<40x1x256xf32, #tpu.memory_space<vmem>>[vector<16xi32>, vector<16xi32>, vector<16xi32>], vector<16xf32>,
          %mul3A_328 = arith.constant 8 : i32
          %mul3A_329 = vector.broadcast %mul3A_328 : i32 to vector<16xi32>
          %mul3A_330 = arith.muli %add3A_112, %mul3A_329 : vector<16xi32>
          %add3A_331 = arith.constant 4 : i32
          %add3A_332 = vector.broadcast %add3A_331 : i32 to vector<16xi32>
          %add3A_333 = arith.addi %mul3A_330, %add3A_332 : vector<16xi32>
          %add3A_334 = arith.constant 512 : i32
          %add3A_335 = vector.broadcast %add3A_334 : i32 to vector<16xi32>
          %add3A_336 = arith.addi %add3A_6, %add3A_335 : vector<16xi32>
          %gather3A_337 = tpu.vector_load_idx %arg6[%add3A_112, %broadcast_in_dim3A_1, %add3A_336] : memref<5x1x1024xi32, #tpu.memory_space<vmem>>[vector<16xi32>, vector<16xi32>, vector<16xi32>], vector<16xi32>,
          %gather3A_338 = tpu.vector_load_idx %arg5[%gather3A_337, %broadcast_in_dim3A_1] : memref<64x2xf32, #tpu.memory_space<vmem>>[vector<16xi32>, vector<16xi32>], vector<16xf32>,
          %gather3A_339 = tpu.vector_load_idx %arg5[%gather3A_337, %broadcast_in_dim3A_3] : memref<64x2xf32, #tpu.memory_space<vmem>>[vector<16xi32>, vector<16xi32>], vector<16xf32>,
          tpu.vector_store_idx %arg7[%add3A_333, %broadcast_in_dim3A_1, %add3A_6], %gather3A_338 : memref<40x1x256xf32, #tpu.memory_space<vmem>>[vector<16xi32>, vector<16xi32>, vector<16xi32>], vector<16xf32>,
          tpu.vector_store_idx %arg7[%add3A_333, %broadcast_in_dim3A_1, %add3A_33], %gather3A_339 : memref<40x1x256xf32, #tpu.memory_space<vmem>>[vector<16xi32>, vector<16xi32>, vector<16xi32>], vector<16xf32>,
          %add3A_340 = arith.constant 512 : i32
          %add3A_341 = vector.broadcast %add3A_340 : i32 to vector<16xi32>
          %add3A_342 = arith.addi %add3A_9, %add3A_341 : vector<16xi32>
          %gather3A_343 = tpu.vector_load_idx %arg6[%add3A_112, %broadcast_in_dim3A_1, %add3A_342] : memref<5x1x1024xi32, #tpu.memory_space<vmem>>[vector<16xi32>, vector<16xi32>, vector<16xi32>], vector<16xi32>,
          %gather3A_344 = tpu.vector_load_idx %arg5[%gather3A_343, %broadcast_in_dim3A_1] : memref<64x2xf32, #tpu.memory_space<vmem>>[vector<16xi32>, vector<16xi32>], vector<16xf32>,
          %gather3A_345 = tpu.vector_load_idx %arg5[%gather3A_343, %broadcast_in_dim3A_3] : memref<64x2xf32, #tpu.memory_space<vmem>>[vector<16xi32>, vector<16xi32>], vector<16xf32>,
          tpu.vector_store_idx %arg7[%add3A_333, %broadcast_in_dim3A_1, %add3A_9], %gather3A_344 : memref<40x1x256xf32, #tpu.memory_space<vmem>>[vector<16xi32>, vector<16xi32>, vector<16xi32>], vector<16xf32>,
          tpu.vector_store_idx %arg7[%add3A_333, %broadcast_in_dim3A_1, %add3A_39], %gather3A_345 : memref<40x1x256xf32, #tpu.memory_space<vmem>>[vector<16xi32>, vector<16xi32>, vector<16xi32>], vector<16xf32>,
          %add3A_346 = arith.constant 512 : i32
          %add3A_347 = vector.broadcast %add3A_346 : i32 to vector<16xi32>
          %add3A_348 = arith.addi %add3A_12, %add3A_347 : vector<16xi32>
          %gather3A_349 = tpu.vector_load_idx %arg6[%add3A_112, %broadcast_in_dim3A_1, %add3A_348] : memref<5x1x1024xi32, #tpu.memory_space<vmem>>[vector<16xi32>, vector<16xi32>, vector<16xi32>], vector<16xi32>,
          %gather3A_350 = tpu.vector_load_idx %arg5[%gather3A_349, %broadcast_in_dim3A_1] : memref<64x2xf32, #tpu.memory_space<vmem>>[vector<16xi32>, vector<16xi32>], vector<16xf32>,
          %gather3A_351 = tpu.vector_load_idx %arg5[%gather3A_349, %broadcast_in_dim3A_3] : memref<64x2xf32, #tpu.memory_space<vmem>>[vector<16xi32>, vector<16xi32>], vector<16xf32>,
          tpu.vector_store_idx %arg7[%add3A_333, %broadcast_in_dim3A_1, %add3A_12], %gather3A_350 : memref<40x1x256xf32, #tpu.memory_space<vmem>>[vector<16xi32>, vector<16xi32>, vector<16xi32>], vector<16xf32>,
          tpu.vector_store_idx %arg7[%add3A_333, %broadcast_in_dim3A_1, %add3A_45], %gather3A_351 : memref<40x1x256xf32, #tpu.memory_space<vmem>>[vector<16xi32>, vector<16xi32>, vector<16xi32>], vector<16xf32>,
          %add3A_352 = arith.constant 512 : i32
          %add3A_353 = vector.broadcast %add3A_352 : i32 to vector<16xi32>
          %add3A_354 = arith.addi %add3A_15, %add3A_353 : vector<16xi32>
          %gather3A_355 = tpu.vector_load_idx %arg6[%add3A_112, %broadcast_in_dim3A_1, %add3A_354] : memref<5x1x1024xi32, #tpu.memory_space<vmem>>[vector<16xi32>, vector<16xi32>, vector<16xi32>], vector<16xi32>,
          %gather3A_356 = tpu.vector_load_idx %arg5[%gather3A_355, %broadcast_in_dim3A_1] : memref<64x2xf32, #tpu.memory_space<vmem>>[vector<16xi32>, vector<16xi32>], vector<16xf32>,
          %gather3A_357 = tpu.vector_load_idx %arg5[%gather3A_355, %broadcast_in_dim3A_3] : memref<64x2xf32, #tpu.memory_space<vmem>>[vector<16xi32>, vector<16xi32>], vector<16xf32>,
          tpu.vector_store_idx %arg7[%add3A_333, %broadcast_in_dim3A_1, %add3A_15], %gather3A_356 : memref<40x1x256xf32, #tpu.memory_space<vmem>>[vector<16xi32>, vector<16xi32>, vector<16xi32>], vector<16xf32>,
          tpu.vector_store_idx %arg7[%add3A_333, %broadcast_in_dim3A_1, %add3A_51], %gather3A_357 : memref<40x1x256xf32, #tpu.memory_space<vmem>>[vector<16xi32>, vector<16xi32>, vector<16xi32>], vector<16xf32>,
          %add3A_358 = arith.constant 512 : i32
          %add3A_359 = vector.broadcast %add3A_358 : i32 to vector<16xi32>
          %add3A_360 = arith.addi %add3A_18, %add3A_359 : vector<16xi32>
          %gather3A_361 = tpu.vector_load_idx %arg6[%add3A_112, %broadcast_in_dim3A_1, %add3A_360] : memref<5x1x1024xi32, #tpu.memory_space<vmem>>[vector<16xi32>, vector<16xi32>, vector<16xi32>], vector<16xi32>,
          %gather3A_362 = tpu.vector_load_idx %arg5[%gather3A_361, %broadcast_in_dim3A_1] : memref<64x2xf32, #tpu.memory_space<vmem>>[vector<16xi32>, vector<16xi32>], vector<16xf32>,
          %gather3A_363 = tpu.vector_load_idx %arg5[%gather3A_361, %broadcast_in_dim3A_3] : memref<64x2xf32, #tpu.memory_space<vmem>>[vector<16xi32>, vector<16xi32>], vector<16xf32>,
          tpu.vector_store_idx %arg7[%add3A_333, %broadcast_in_dim3A_1, %add3A_18], %gather3A_362 : memref<40x1x256xf32, #tpu.memory_space<vmem>>[vector<16xi32>, vector<16xi32>, vector<16xi32>], vector<16xf32>,
          tpu.vector_store_idx %arg7[%add3A_333, %broadcast_in_dim3A_1, %add3A_57], %gather3A_363 : memref<40x1x256xf32, #tpu.memory_space<vmem>>[vector<16xi32>, vector<16xi32>, vector<16xi32>], vector<16xf32>,
          %add3A_364 = arith.constant 512 : i32
          %add3A_365 = vector.broadcast %add3A_364 : i32 to vector<16xi32>
          %add3A_366 = arith.addi %add3A_21, %add3A_365 : vector<16xi32>
          %gather3A_367 = tpu.vector_load_idx %arg6[%add3A_112, %broadcast_in_dim3A_1, %add3A_366] : memref<5x1x1024xi32, #tpu.memory_space<vmem>>[vector<16xi32>, vector<16xi32>, vector<16xi32>], vector<16xi32>,
          %gather3A_368 = tpu.vector_load_idx %arg5[%gather3A_367, %broadcast_in_dim3A_1] : memref<64x2xf32, #tpu.memory_space<vmem>>[vector<16xi32>, vector<16xi32>], vector<16xf32>,
          %gather3A_369 = tpu.vector_load_idx %arg5[%gather3A_367, %broadcast_in_dim3A_3] : memref<64x2xf32, #tpu.memory_space<vmem>>[vector<16xi32>, vector<16xi32>], vector<16xf32>,
          tpu.vector_store_idx %arg7[%add3A_333, %broadcast_in_dim3A_1, %add3A_21], %gather3A_368 : memref<40x1x256xf32, #tpu.memory_space<vmem>>[vector<16xi32>, vector<16xi32>, vector<16xi32>], vector<16xf32>,
          tpu.vector_store_idx %arg7[%add3A_333, %broadcast_in_dim3A_1, %add3A_63], %gather3A_369 : memref<40x1x256xf32, #tpu.memory_space<vmem>>[vector<16xi32>, vector<16xi32>, vector<16xi32>], vector<16xf32>,
          %add3A_370 = arith.constant 512 : i32
          %add3A_371 = vector.broadcast %add3A_370 : i32 to vector<16xi32>
          %add3A_372 = arith.addi %add3A_24, %add3A_371 : vector<16xi32>
          %gather3A_373 = tpu.vector_load_idx %arg6[%add3A_112, %broadcast_in_dim3A_1, %add3A_372] : memref<5x1x1024xi32, #tpu.memory_space<vmem>>[vector<16xi32>, vector<16xi32>, vector<16xi32>], vector<16xi32>,
          %gather3A_374 = tpu.vector_load_idx %arg5[%gather3A_373, %broadcast_in_dim3A_1] : memref<64x2xf32, #tpu.memory_space<vmem>>[vector<16xi32>, vector<16xi32>], vector<16xf32>,
          %gather3A_375 = tpu.vector_load_idx %arg5[%gather3A_373, %broadcast_in_dim3A_3] : memref<64x2xf32, #tpu.memory_space<vmem>>[vector<16xi32>, vector<16xi32>], vector<16xf32>,
          tpu.vector_store_idx %arg7[%add3A_333, %broadcast_in_dim3A_1, %add3A_24], %gather3A_374 : memref<40x1x256xf32, #tpu.memory_space<vmem>>[vector<16xi32>, vector<16xi32>, vector<16xi32>], vector<16xf32>,
          tpu.vector_store_idx %arg7[%add3A_333, %broadcast_in_dim3A_1, %add3A_69], %gather3A_375 : memref<40x1x256xf32, #tpu.memory_space<vmem>>[vector<16xi32>, vector<16xi32>, vector<16xi32>], vector<16xf32>,
          %add3A_376 = arith.constant 512 : i32
          %add3A_377 = vector.broadcast %add3A_376 : i32 to vector<16xi32>
          %add3A_378 = arith.addi %add3A_27, %add3A_377 : vector<16xi32>
          %gather3A_379 = tpu.vector_load_idx %arg6[%add3A_112, %broadcast_in_dim3A_1, %add3A_378] : memref<5x1x1024xi32, #tpu.memory_space<vmem>>[vector<16xi32>, vector<16xi32>, vector<16xi32>], vector<16xi32>,
          %gather3A_380 = tpu.vector_load_idx %arg5[%gather3A_379, %broadcast_in_dim3A_1] : memref<64x2xf32, #tpu.memory_space<vmem>>[vector<16xi32>, vector<16xi32>], vector<16xf32>,
          %gather3A_381 = tpu.vector_load_idx %arg5[%gather3A_379, %broadcast_in_dim3A_3] : memref<64x2xf32, #tpu.memory_space<vmem>>[vector<16xi32>, vector<16xi32>], vector<16xf32>,
          tpu.vector_store_idx %arg7[%add3A_333, %broadcast_in_dim3A_1, %add3A_27], %gather3A_380 : memref<40x1x256xf32, #tpu.memory_space<vmem>>[vector<16xi32>, vector<16xi32>, vector<16xi32>], vector<16xf32>,
          tpu.vector_store_idx %arg7[%add3A_333, %broadcast_in_dim3A_1, %add3A_75], %gather3A_381 : memref<40x1x256xf32, #tpu.memory_space<vmem>>[vector<16xi32>, vector<16xi32>, vector<16xi32>], vector<16xf32>,
          %mul3A_382 = arith.constant 8 : i32
          %mul3A_383 = vector.broadcast %mul3A_382 : i32 to vector<16xi32>
          %mul3A_384 = arith.muli %add3A_112, %mul3A_383 : vector<16xi32>
          %add3A_385 = arith.constant 5 : i32
          %add3A_386 = vector.broadcast %add3A_385 : i32 to vector<16xi32>
          %add3A_387 = arith.addi %mul3A_384, %add3A_386 : vector<16xi32>
          %add3A_388 = arith.constant 640 : i32
          %add3A_389 = vector.broadcast %add3A_388 : i32 to vector<16xi32>
          %add3A_390 = arith.addi %add3A_6, %add3A_389 : vector<16xi32>
          %gather3A_391 = tpu.vector_load_idx %arg6[%add3A_112, %broadcast_in_dim3A_1, %add3A_390] : memref<5x1x1024xi32, #tpu.memory_space<vmem>>[vector<16xi32>, vector<16xi32>, vector<16xi32>], vector<16xi32>,
          %gather3A_392 = tpu.vector_load_idx %arg5[%gather3A_391, %broadcast_in_dim3A_1] : memref<64x2xf32, #tpu.memory_space<vmem>>[vector<16xi32>, vector<16xi32>], vector<16xf32>,
          %gather3A_393 = tpu.vector_load_idx %arg5[%gather3A_391, %broadcast_in_dim3A_3] : memref<64x2xf32, #tpu.memory_space<vmem>>[vector<16xi32>, vector<16xi32>], vector<16xf32>,
          tpu.vector_store_idx %arg7[%add3A_387, %broadcast_in_dim3A_1, %add3A_6], %gather3A_392 : memref<40x1x256xf32, #tpu.memory_space<vmem>>[vector<16xi32>, vector<16xi32>, vector<16xi32>], vector<16xf32>,
          tpu.vector_store_idx %arg7[%add3A_387, %broadcast_in_dim3A_1, %add3A_33], %gather3A_393 : memref<40x1x256xf32, #tpu.memory_space<vmem>>[vector<16xi32>, vector<16xi32>, vector<16xi32>], vector<16xf32>,
          %add3A_394 = arith.constant 640 : i32
          %add3A_395 = vector.broadcast %add3A_394 : i32 to vector<16xi32>
          %add3A_396 = arith.addi %add3A_9, %add3A_395 : vector<16xi32>
          %gather3A_397 = tpu.vector_load_idx %arg6[%add3A_112, %broadcast_in_dim3A_1, %add3A_396] : memref<5x1x1024xi32, #tpu.memory_space<vmem>>[vector<16xi32>, vector<16xi32>, vector<16xi32>], vector<16xi32>,
          %gather3A_398 = tpu.vector_load_idx %arg5[%gather3A_397, %broadcast_in_dim3A_1] : memref<64x2xf32, #tpu.memory_space<vmem>>[vector<16xi32>, vector<16xi32>], vector<16xf32>,
          %gather3A_399 = tpu.vector_load_idx %arg5[%gather3A_397, %broadcast_in_dim3A_3] : memref<64x2xf32, #tpu.memory_space<vmem>>[vector<16xi32>, vector<16xi32>], vector<16xf32>,
          tpu.vector_store_idx %arg7[%add3A_387, %broadcast_in_dim3A_1, %add3A_9], %gather3A_398 : memref<40x1x256xf32, #tpu.memory_space<vmem>>[vector<16xi32>, vector<16xi32>, vector<16xi32>], vector<16xf32>,
          tpu.vector_store_idx %arg7[%add3A_387, %broadcast_in_dim3A_1, %add3A_39], %gather3A_399 : memref<40x1x256xf32, #tpu.memory_space<vmem>>[vector<16xi32>, vector<16xi32>, vector<16xi32>], vector<16xf32>,
          %add3A_400 = arith.constant 640 : i32
          %add3A_401 = vector.broadcast %add3A_400 : i32 to vector<16xi32>
          %add3A_402 = arith.addi %add3A_12, %add3A_401 : vector<16xi32>
          %gather3A_403 = tpu.vector_load_idx %arg6[%add3A_112, %broadcast_in_dim3A_1, %add3A_402] : memref<5x1x1024xi32, #tpu.memory_space<vmem>>[vector<16xi32>, vector<16xi32>, vector<16xi32>], vector<16xi32>,
          %gather3A_404 = tpu.vector_load_idx %arg5[%gather3A_403, %broadcast_in_dim3A_1] : memref<64x2xf32, #tpu.memory_space<vmem>>[vector<16xi32>, vector<16xi32>], vector<16xf32>,
          %gather3A_405 = tpu.vector_load_idx %arg5[%gather3A_403, %broadcast_in_dim3A_3] : memref<64x2xf32, #tpu.memory_space<vmem>>[vector<16xi32>, vector<16xi32>], vector<16xf32>,
          tpu.vector_store_idx %arg7[%add3A_387, %broadcast_in_dim3A_1, %add3A_12], %gather3A_404 : memref<40x1x256xf32, #tpu.memory_space<vmem>>[vector<16xi32>, vector<16xi32>, vector<16xi32>], vector<16xf32>,
          tpu.vector_store_idx %arg7[%add3A_387, %broadcast_in_dim3A_1, %add3A_45], %gather3A_405 : memref<40x1x256xf32, #tpu.memory_space<vmem>>[vector<16xi32>, vector<16xi32>, vector<16xi32>], vector<16xf32>,
          %add3A_406 = arith.constant 640 : i32
          %add3A_407 = vector.broadcast %add3A_406 : i32 to vector<16xi32>
          %add3A_408 = arith.addi %add3A_15, %add3A_407 : vector<16xi32>
          %gather3A_409 = tpu.vector_load_idx %arg6[%add3A_112, %broadcast_in_dim3A_1, %add3A_408] : memref<5x1x1024xi32, #tpu.memory_space<vmem>>[vector<16xi32>, vector<16xi32>, vector<16xi32>], vector<16xi32>,
          %gather3A_410 = tpu.vector_load_idx %arg5[%gather3A_409, %broadcast_in_dim3A_1] : memref<64x2xf32, #tpu.memory_space<vmem>>[vector<16xi32>, vector<16xi32>], vector<16xf32>,
          %gather3A_411 = tpu.vector_load_idx %arg5[%gather3A_409, %broadcast_in_dim3A_3] : memref<64x2xf32, #tpu.memory_space<vmem>>[vector<16xi32>, vector<16xi32>], vector<16xf32>,
          tpu.vector_store_idx %arg7[%add3A_387, %broadcast_in_dim3A_1, %add3A_15], %gather3A_410 : memref<40x1x256xf32, #tpu.memory_space<vmem>>[vector<16xi32>, vector<16xi32>, vector<16xi32>], vector<16xf32>,
          tpu.vector_store_idx %arg7[%add3A_387, %broadcast_in_dim3A_1, %add3A_51], %gather3A_411 : memref<40x1x256xf32, #tpu.memory_space<vmem>>[vector<16xi32>, vector<16xi32>, vector<16xi32>], vector<16xf32>,
          %add3A_412 = arith.constant 640 : i32
          %add3A_413 = vector.broadcast %add3A_412 : i32 to vector<16xi32>
          %add3A_414 = arith.addi %add3A_18, %add3A_413 : vector<16xi32>
          %gather3A_415 = tpu.vector_load_idx %arg6[%add3A_112, %broadcast_in_dim3A_1, %add3A_414] : memref<5x1x1024xi32, #tpu.memory_space<vmem>>[vector<16xi32>, vector<16xi32>, vector<16xi32>], vector<16xi32>,
          %gather3A_416 = tpu.vector_load_idx %arg5[%gather3A_415, %broadcast_in_dim3A_1] : memref<64x2xf32, #tpu.memory_space<vmem>>[vector<16xi32>, vector<16xi32>], vector<16xf32>,
          %gather3A_417 = tpu.vector_load_idx %arg5[%gather3A_415, %broadcast_in_dim3A_3] : memref<64x2xf32, #tpu.memory_space<vmem>>[vector<16xi32>, vector<16xi32>], vector<16xf32>,
          tpu.vector_store_idx %arg7[%add3A_387, %broadcast_in_dim3A_1, %add3A_18], %gather3A_416 : memref<40x1x256xf32, #tpu.memory_space<vmem>>[vector<16xi32>, vector<16xi32>, vector<16xi32>], vector<16xf32>,
          tpu.vector_store_idx %arg7[%add3A_387, %broadcast_in_dim3A_1, %add3A_57], %gather3A_417 : memref<40x1x256xf32, #tpu.memory_space<vmem>>[vector<16xi32>, vector<16xi32>, vector<16xi32>], vector<16xf32>,
          %add3A_418 = arith.constant 640 : i32
          %add3A_419 = vector.broadcast %add3A_418 : i32 to vector<16xi32>
          %add3A_420 = arith.addi %add3A_21, %add3A_419 : vector<16xi32>
          %gather3A_421 = tpu.vector_load_idx %arg6[%add3A_112, %broadcast_in_dim3A_1, %add3A_420] : memref<5x1x1024xi32, #tpu.memory_space<vmem>>[vector<16xi32>, vector<16xi32>, vector<16xi32>], vector<16xi32>,
          %gather3A_422 = tpu.vector_load_idx %arg5[%gather3A_421, %broadcast_in_dim3A_1] : memref<64x2xf32, #tpu.memory_space<vmem>>[vector<16xi32>, vector<16xi32>], vector<16xf32>,
          %gather3A_423 = tpu.vector_load_idx %arg5[%gather3A_421, %broadcast_in_dim3A_3] : memref<64x2xf32, #tpu.memory_space<vmem>>[vector<16xi32>, vector<16xi32>], vector<16xf32>,
          tpu.vector_store_idx %arg7[%add3A_387, %broadcast_in_dim3A_1, %add3A_21], %gather3A_422 : memref<40x1x256xf32, #tpu.memory_space<vmem>>[vector<16xi32>, vector<16xi32>, vector<16xi32>], vector<16xf32>,
          tpu.vector_store_idx %arg7[%add3A_387, %broadcast_in_dim3A_1, %add3A_63], %gather3A_423 : memref<40x1x256xf32, #tpu.memory_space<vmem>>[vector<16xi32>, vector<16xi32>, vector<16xi32>], vector<16xf32>,
          %add3A_424 = arith.constant 640 : i32
          %add3A_425 = vector.broadcast %add3A_424 : i32 to vector<16xi32>
          %add3A_426 = arith.addi %add3A_24, %add3A_425 : vector<16xi32>
          %gather3A_427 = tpu.vector_load_idx %arg6[%add3A_112, %broadcast_in_dim3A_1, %add3A_426] : memref<5x1x1024xi32, #tpu.memory_space<vmem>>[vector<16xi32>, vector<16xi32>, vector<16xi32>], vector<16xi32>,
          %gather3A_428 = tpu.vector_load_idx %arg5[%gather3A_427, %broadcast_in_dim3A_1] : memref<64x2xf32, #tpu.memory_space<vmem>>[vector<16xi32>, vector<16xi32>], vector<16xf32>,
          %gather3A_429 = tpu.vector_load_idx %arg5[%gather3A_427, %broadcast_in_dim3A_3] : memref<64x2xf32, #tpu.memory_space<vmem>>[vector<16xi32>, vector<16xi32>], vector<16xf32>,
          tpu.vector_store_idx %arg7[%add3A_387, %broadcast_in_dim3A_1, %add3A_24], %gather3A_428 : memref<40x1x256xf32, #tpu.memory_space<vmem>>[vector<16xi32>, vector<16xi32>, vector<16xi32>], vector<16xf32>,
          tpu.vector_store_idx %arg7[%add3A_387, %broadcast_in_dim3A_1, %add3A_69], %gather3A_429 : memref<40x1x256xf32, #tpu.memory_space<vmem>>[vector<16xi32>, vector<16xi32>, vector<16xi32>], vector<16xf32>,
          %add3A_430 = arith.constant 640 : i32
          %add3A_431 = vector.broadcast %add3A_430 : i32 to vector<16xi32>
          %add3A_432 = arith.addi %add3A_27, %add3A_431 : vector<16xi32>
          %gather3A_433 = tpu.vector_load_idx %arg6[%add3A_112, %broadcast_in_dim3A_1, %add3A_432] : memref<5x1x1024xi32, #tpu.memory_space<vmem>>[vector<16xi32>, vector<16xi32>, vector<16xi32>], vector<16xi32>,
          %gather3A_434 = tpu.vector_load_idx %arg5[%gather3A_433, %broadcast_in_dim3A_1] : memref<64x2xf32, #tpu.memory_space<vmem>>[vector<16xi32>, vector<16xi32>], vector<16xf32>,
          %gather3A_435 = tpu.vector_load_idx %arg5[%gather3A_433, %broadcast_in_dim3A_3] : memref<64x2xf32, #tpu.memory_space<vmem>>[vector<16xi32>, vector<16xi32>], vector<16xf32>,
          tpu.vector_store_idx %arg7[%add3A_387, %broadcast_in_dim3A_1, %add3A_27], %gather3A_434 : memref<40x1x256xf32, #tpu.memory_space<vmem>>[vector<16xi32>, vector<16xi32>, vector<16xi32>], vector<16xf32>,
          tpu.vector_store_idx %arg7[%add3A_387, %broadcast_in_dim3A_1, %add3A_75], %gather3A_435 : memref<40x1x256xf32, #tpu.memory_space<vmem>>[vector<16xi32>, vector<16xi32>, vector<16xi32>], vector<16xf32>,
          %mul3A_436 = arith.constant 8 : i32
          %mul3A_437 = vector.broadcast %mul3A_436 : i32 to vector<16xi32>
          %mul3A_438 = arith.muli %add3A_112, %mul3A_437 : vector<16xi32>
          %add3A_439 = arith.constant 6 : i32
          %add3A_440 = vector.broadcast %add3A_439 : i32 to vector<16xi32>
          %add3A_441 = arith.addi %mul3A_438, %add3A_440 : vector<16xi32>
          %add3A_442 = arith.constant 768 : i32
          %add3A_443 = vector.broadcast %add3A_442 : i32 to vector<16xi32>
          %add3A_444 = arith.addi %add3A_6, %add3A_443 : vector<16xi32>
          %gather3A_445 = tpu.vector_load_idx %arg6[%add3A_112, %broadcast_in_dim3A_1, %add3A_444] : memref<5x1x1024xi32, #tpu.memory_space<vmem>>[vector<16xi32>, vector<16xi32>, vector<16xi32>], vector<16xi32>,
          %gather3A_446 = tpu.vector_load_idx %arg5[%gather3A_445, %broadcast_in_dim3A_1] : memref<64x2xf32, #tpu.memory_space<vmem>>[vector<16xi32>, vector<16xi32>], vector<16xf32>,
          %gather3A_447 = tpu.vector_load_idx %arg5[%gather3A_445, %broadcast_in_dim3A_3] : memref<64x2xf32, #tpu.memory_space<vmem>>[vector<16xi32>, vector<16xi32>], vector<16xf32>,
          tpu.vector_store_idx %arg7[%add3A_441, %broadcast_in_dim3A_1, %add3A_6], %gather3A_446 : memref<40x1x256xf32, #tpu.memory_space<vmem>>[vector<16xi32>, vector<16xi32>, vector<16xi32>], vector<16xf32>,
          tpu.vector_store_idx %arg7[%add3A_441, %broadcast_in_dim3A_1, %add3A_33], %gather3A_447 : memref<40x1x256xf32, #tpu.memory_space<vmem>>[vector<16xi32>, vector<16xi32>, vector<16xi32>], vector<16xf32>,
          %add3A_448 = arith.constant 768 : i32
          %add3A_449 = vector.broadcast %add3A_448 : i32 to vector<16xi32>
          %add3A_450 = arith.addi %add3A_9, %add3A_449 : vector<16xi32>
          %gather3A_451 = tpu.vector_load_idx %arg6[%add3A_112, %broadcast_in_dim3A_1, %add3A_450] : memref<5x1x1024xi32, #tpu.memory_space<vmem>>[vector<16xi32>, vector<16xi32>, vector<16xi32>], vector<16xi32>,
          %gather3A_452 = tpu.vector_load_idx %arg5[%gather3A_451, %broadcast_in_dim3A_1] : memref<64x2xf32, #tpu.memory_space<vmem>>[vector<16xi32>, vector<16xi32>], vector<16xf32>,
          %gather3A_453 = tpu.vector_load_idx %arg5[%gather3A_451, %broadcast_in_dim3A_3] : memref<64x2xf32, #tpu.memory_space<vmem>>[vector<16xi32>, vector<16xi32>], vector<16xf32>,
          tpu.vector_store_idx %arg7[%add3A_441, %broadcast_in_dim3A_1, %add3A_9], %gather3A_452 : memref<40x1x256xf32, #tpu.memory_space<vmem>>[vector<16xi32>, vector<16xi32>, vector<16xi32>], vector<16xf32>,
          tpu.vector_store_idx %arg7[%add3A_441, %broadcast_in_dim3A_1, %add3A_39], %gather3A_453 : memref<40x1x256xf32, #tpu.memory_space<vmem>>[vector<16xi32>, vector<16xi32>, vector<16xi32>], vector<16xf32>,
          %add3A_454 = arith.constant 768 : i32
          %add3A_455 = vector.broadcast %add3A_454 : i32 to vector<16xi32>
          %add3A_456 = arith.addi %add3A_12, %add3A_455 : vector<16xi32>
          %gather3A_457 = tpu.vector_load_idx %arg6[%add3A_112, %broadcast_in_dim3A_1, %add3A_456] : memref<5x1x1024xi32, #tpu.memory_space<vmem>>[vector<16xi32>, vector<16xi32>, vector<16xi32>], vector<16xi32>,
          %gather3A_458 = tpu.vector_load_idx %arg5[%gather3A_457, %broadcast_in_dim3A_1] : memref<64x2xf32, #tpu.memory_space<vmem>>[vector<16xi32>, vector<16xi32>], vector<16xf32>,
          %gather3A_459 = tpu.vector_load_idx %arg5[%gather3A_457, %broadcast_in_dim3A_3] : memref<64x2xf32, #tpu.memory_space<vmem>>[vector<16xi32>, vector<16xi32>], vector<16xf32>,
          tpu.vector_store_idx %arg7[%add3A_441, %broadcast_in_dim3A_1, %add3A_12], %gather3A_458 : memref<40x1x256xf32, #tpu.memory_space<vmem>>[vector<16xi32>, vector<16xi32>, vector<16xi32>], vector<16xf32>,
          tpu.vector_store_idx %arg7[%add3A_441, %broadcast_in_dim3A_1, %add3A_45], %gather3A_459 : memref<40x1x256xf32, #tpu.memory_space<vmem>>[vector<16xi32>, vector<16xi32>, vector<16xi32>], vector<16xf32>,
          %add3A_460 = arith.constant 768 : i32
          %add3A_461 = vector.broadcast %add3A_460 : i32 to vector<16xi32>
          %add3A_462 = arith.addi %add3A_15, %add3A_461 : vector<16xi32>
          %gather3A_463 = tpu.vector_load_idx %arg6[%add3A_112, %broadcast_in_dim3A_1, %add3A_462] : memref<5x1x1024xi32, #tpu.memory_space<vmem>>[vector<16xi32>, vector<16xi32>, vector<16xi32>], vector<16xi32>,
          %gather3A_464 = tpu.vector_load_idx %arg5[%gather3A_463, %broadcast_in_dim3A_1] : memref<64x2xf32, #tpu.memory_space<vmem>>[vector<16xi32>, vector<16xi32>], vector<16xf32>,
          %gather3A_465 = tpu.vector_load_idx %arg5[%gather3A_463, %broadcast_in_dim3A_3] : memref<64x2xf32, #tpu.memory_space<vmem>>[vector<16xi32>, vector<16xi32>], vector<16xf32>,
          tpu.vector_store_idx %arg7[%add3A_441, %broadcast_in_dim3A_1, %add3A_15], %gather3A_464 : memref<40x1x256xf32, #tpu.memory_space<vmem>>[vector<16xi32>, vector<16xi32>, vector<16xi32>], vector<16xf32>,
          tpu.vector_store_idx %arg7[%add3A_441, %broadcast_in_dim3A_1, %add3A_51], %gather3A_465 : memref<40x1x256xf32, #tpu.memory_space<vmem>>[vector<16xi32>, vector<16xi32>, vector<16xi32>], vector<16xf32>,
          %add3A_466 = arith.constant 768 : i32
          %add3A_467 = vector.broadcast %add3A_466 : i32 to vector<16xi32>
          %add3A_468 = arith.addi %add3A_18, %add3A_467 : vector<16xi32>
          %gather3A_469 = tpu.vector_load_idx %arg6[%add3A_112, %broadcast_in_dim3A_1, %add3A_468] : memref<5x1x1024xi32, #tpu.memory_space<vmem>>[vector<16xi32>, vector<16xi32>, vector<16xi32>], vector<16xi32>,
          %gather3A_470 = tpu.vector_load_idx %arg5[%gather3A_469, %broadcast_in_dim3A_1] : memref<64x2xf32, #tpu.memory_space<vmem>>[vector<16xi32>, vector<16xi32>], vector<16xf32>,
          %gather3A_471 = tpu.vector_load_idx %arg5[%gather3A_469, %broadcast_in_dim3A_3] : memref<64x2xf32, #tpu.memory_space<vmem>>[vector<16xi32>, vector<16xi32>], vector<16xf32>,
          tpu.vector_store_idx %arg7[%add3A_441, %broadcast_in_dim3A_1, %add3A_18], %gather3A_470 : memref<40x1x256xf32, #tpu.memory_space<vmem>>[vector<16xi32>, vector<16xi32>, vector<16xi32>], vector<16xf32>,
          tpu.vector_store_idx %arg7[%add3A_441, %broadcast_in_dim3A_1, %add3A_57], %gather3A_471 : memref<40x1x256xf32, #tpu.memory_space<vmem>>[vector<16xi32>, vector<16xi32>, vector<16xi32>], vector<16xf32>,
          %add3A_472 = arith.constant 768 : i32
          %add3A_473 = vector.broadcast %add3A_472 : i32 to vector<16xi32>
          %add3A_474 = arith.addi %add3A_21, %add3A_473 : vector<16xi32>
          %gather3A_475 = tpu.vector_load_idx %arg6[%add3A_112, %broadcast_in_dim3A_1, %add3A_474] : memref<5x1x1024xi32, #tpu.memory_space<vmem>>[vector<16xi32>, vector<16xi32>, vector<16xi32>], vector<16xi32>,
          %gather3A_476 = tpu.vector_load_idx %arg5[%gather3A_475, %broadcast_in_dim3A_1] : memref<64x2xf32, #tpu.memory_space<vmem>>[vector<16xi32>, vector<16xi32>], vector<16xf32>,
          %gather3A_477 = tpu.vector_load_idx %arg5[%gather3A_475, %broadcast_in_dim3A_3] : memref<64x2xf32, #tpu.memory_space<vmem>>[vector<16xi32>, vector<16xi32>], vector<16xf32>,
          tpu.vector_store_idx %arg7[%add3A_441, %broadcast_in_dim3A_1, %add3A_21], %gather3A_476 : memref<40x1x256xf32, #tpu.memory_space<vmem>>[vector<16xi32>, vector<16xi32>, vector<16xi32>], vector<16xf32>,
          tpu.vector_store_idx %arg7[%add3A_441, %broadcast_in_dim3A_1, %add3A_63], %gather3A_477 : memref<40x1x256xf32, #tpu.memory_space<vmem>>[vector<16xi32>, vector<16xi32>, vector<16xi32>], vector<16xf32>,
          %add3A_478 = arith.constant 768 : i32
          %add3A_479 = vector.broadcast %add3A_478 : i32 to vector<16xi32>
          %add3A_480 = arith.addi %add3A_24, %add3A_479 : vector<16xi32>
          %gather3A_481 = tpu.vector_load_idx %arg6[%add3A_112, %broadcast_in_dim3A_1, %add3A_480] : memref<5x1x1024xi32, #tpu.memory_space<vmem>>[vector<16xi32>, vector<16xi32>, vector<16xi32>], vector<16xi32>,
          %gather3A_482 = tpu.vector_load_idx %arg5[%gather3A_481, %broadcast_in_dim3A_1] : memref<64x2xf32, #tpu.memory_space<vmem>>[vector<16xi32>, vector<16xi32>], vector<16xf32>,
          %gather3A_483 = tpu.vector_load_idx %arg5[%gather3A_481, %broadcast_in_dim3A_3] : memref<64x2xf32, #tpu.memory_space<vmem>>[vector<16xi32>, vector<16xi32>], vector<16xf32>,
          tpu.vector_store_idx %arg7[%add3A_441, %broadcast_in_dim3A_1, %add3A_24], %gather3A_482 : memref<40x1x256xf32, #tpu.memory_space<vmem>>[vector<16xi32>, vector<16xi32>, vector<16xi32>], vector<16xf32>,
          tpu.vector_store_idx %arg7[%add3A_441, %broadcast_in_dim3A_1, %add3A_69], %gather3A_483 : memref<40x1x256xf32, #tpu.memory_space<vmem>>[vector<16xi32>, vector<16xi32>, vector<16xi32>], vector<16xf32>,
          %add3A_484 = arith.constant 768 : i32
          %add3A_485 = vector.broadcast %add3A_484 : i32 to vector<16xi32>
          %add3A_486 = arith.addi %add3A_27, %add3A_485 : vector<16xi32>
          %gather3A_487 = tpu.vector_load_idx %arg6[%add3A_112, %broadcast_in_dim3A_1, %add3A_486] : memref<5x1x1024xi32, #tpu.memory_space<vmem>>[vector<16xi32>, vector<16xi32>, vector<16xi32>], vector<16xi32>,
          %gather3A_488 = tpu.vector_load_idx %arg5[%gather3A_487, %broadcast_in_dim3A_1] : memref<64x2xf32, #tpu.memory_space<vmem>>[vector<16xi32>, vector<16xi32>], vector<16xf32>,
          %gather3A_489 = tpu.vector_load_idx %arg5[%gather3A_487, %broadcast_in_dim3A_3] : memref<64x2xf32, #tpu.memory_space<vmem>>[vector<16xi32>, vector<16xi32>], vector<16xf32>,
          tpu.vector_store_idx %arg7[%add3A_441, %broadcast_in_dim3A_1, %add3A_27], %gather3A_488 : memref<40x1x256xf32, #tpu.memory_space<vmem>>[vector<16xi32>, vector<16xi32>, vector<16xi32>], vector<16xf32>,
          tpu.vector_store_idx %arg7[%add3A_441, %broadcast_in_dim3A_1, %add3A_75], %gather3A_489 : memref<40x1x256xf32, #tpu.memory_space<vmem>>[vector<16xi32>, vector<16xi32>, vector<16xi32>], vector<16xf32>,
          %mul3A_490 = arith.constant 8 : i32
          %mul3A_491 = vector.broadcast %mul3A_490 : i32 to vector<16xi32>
          %mul3A_492 = arith.muli %add3A_112, %mul3A_491 : vector<16xi32>
          %add3A_493 = arith.constant 7 : i32
          %add3A_494 = vector.broadcast %add3A_493 : i32 to vector<16xi32>
          %add3A_495 = arith.addi %mul3A_492, %add3A_494 : vector<16xi32>
          %add3A_496 = arith.constant 896 : i32
          %add3A_497 = vector.broadcast %add3A_496 : i32 to vector<16xi32>
          %add3A_498 = arith.addi %add3A_6, %add3A_497 : vector<16xi32>
          %gather3A_499 = tpu.vector_load_idx %arg6[%add3A_112, %broadcast_in_dim3A_1, %add3A_498] : memref<5x1x1024xi32, #tpu.memory_space<vmem>>[vector<16xi32>, vector<16xi32>, vector<16xi32>], vector<16xi32>,
          %gather3A_500 = tpu.vector_load_idx %arg5[%gather3A_499, %broadcast_in_dim3A_1] : memref<64x2xf32, #tpu.memory_space<vmem>>[vector<16xi32>, vector<16xi32>], vector<16xf32>,
          %gather3A_501 = tpu.vector_load_idx %arg5[%gather3A_499, %broadcast_in_dim3A_3] : memref<64x2xf32, #tpu.memory_space<vmem>>[vector<16xi32>, vector<16xi32>], vector<16xf32>,
          tpu.vector_store_idx %arg7[%add3A_495, %broadcast_in_dim3A_1, %add3A_6], %gather3A_500 : memref<40x1x256xf32, #tpu.memory_space<vmem>>[vector<16xi32>, vector<16xi32>, vector<16xi32>], vector<16xf32>,
          tpu.vector_store_idx %arg7[%add3A_495, %broadcast_in_dim3A_1, %add3A_33], %gather3A_501 : memref<40x1x256xf32, #tpu.memory_space<vmem>>[vector<16xi32>, vector<16xi32>, vector<16xi32>], vector<16xf32>,
          %add3A_502 = arith.constant 896 : i32
          %add3A_503 = vector.broadcast %add3A_502 : i32 to vector<16xi32>
          %add3A_504 = arith.addi %add3A_9, %add3A_503 : vector<16xi32>
          %gather3A_505 = tpu.vector_load_idx %arg6[%add3A_112, %broadcast_in_dim3A_1, %add3A_504] : memref<5x1x1024xi32, #tpu.memory_space<vmem>>[vector<16xi32>, vector<16xi32>, vector<16xi32>], vector<16xi32>,
          %gather3A_506 = tpu.vector_load_idx %arg5[%gather3A_505, %broadcast_in_dim3A_1] : memref<64x2xf32, #tpu.memory_space<vmem>>[vector<16xi32>, vector<16xi32>], vector<16xf32>,
          %gather3A_507 = tpu.vector_load_idx %arg5[%gather3A_505, %broadcast_in_dim3A_3] : memref<64x2xf32, #tpu.memory_space<vmem>>[vector<16xi32>, vector<16xi32>], vector<16xf32>,
          tpu.vector_store_idx %arg7[%add3A_495, %broadcast_in_dim3A_1, %add3A_9], %gather3A_506 : memref<40x1x256xf32, #tpu.memory_space<vmem>>[vector<16xi32>, vector<16xi32>, vector<16xi32>], vector<16xf32>,
          tpu.vector_store_idx %arg7[%add3A_495, %broadcast_in_dim3A_1, %add3A_39], %gather3A_507 : memref<40x1x256xf32, #tpu.memory_space<vmem>>[vector<16xi32>, vector<16xi32>, vector<16xi32>], vector<16xf32>,
          %add3A_508 = arith.constant 896 : i32
          %add3A_509 = vector.broadcast %add3A_508 : i32 to vector<16xi32>
          %add3A_510 = arith.addi %add3A_12, %add3A_509 : vector<16xi32>
          %gather3A_511 = tpu.vector_load_idx %arg6[%add3A_112, %broadcast_in_dim3A_1, %add3A_510] : memref<5x1x1024xi32, #tpu.memory_space<vmem>>[vector<16xi32>, vector<16xi32>, vector<16xi32>], vector<16xi32>,
          %gather3A_512 = tpu.vector_load_idx %arg5[%gather3A_511, %broadcast_in_dim3A_1] : memref<64x2xf32, #tpu.memory_space<vmem>>[vector<16xi32>, vector<16xi32>], vector<16xf32>,
          %gather3A_513 = tpu.vector_load_idx %arg5[%gather3A_511, %broadcast_in_dim3A_3] : memref<64x2xf32, #tpu.memory_space<vmem>>[vector<16xi32>, vector<16xi32>], vector<16xf32>,
          tpu.vector_store_idx %arg7[%add3A_495, %broadcast_in_dim3A_1, %add3A_12], %gather3A_512 : memref<40x1x256xf32, #tpu.memory_space<vmem>>[vector<16xi32>, vector<16xi32>, vector<16xi32>], vector<16xf32>,
          tpu.vector_store_idx %arg7[%add3A_495, %broadcast_in_dim3A_1, %add3A_45], %gather3A_513 : memref<40x1x256xf32, #tpu.memory_space<vmem>>[vector<16xi32>, vector<16xi32>, vector<16xi32>], vector<16xf32>,
          %add3A_514 = arith.constant 896 : i32
          %add3A_515 = vector.broadcast %add3A_514 : i32 to vector<16xi32>
          %add3A_516 = arith.addi %add3A_15, %add3A_515 : vector<16xi32>
          %gather3A_517 = tpu.vector_load_idx %arg6[%add3A_112, %broadcast_in_dim3A_1, %add3A_516] : memref<5x1x1024xi32, #tpu.memory_space<vmem>>[vector<16xi32>, vector<16xi32>, vector<16xi32>], vector<16xi32>,
          %gather3A_518 = tpu.vector_load_idx %arg5[%gather3A_517, %broadcast_in_dim3A_1] : memref<64x2xf32, #tpu.memory_space<vmem>>[vector<16xi32>, vector<16xi32>], vector<16xf32>,
          %gather3A_519 = tpu.vector_load_idx %arg5[%gather3A_517, %broadcast_in_dim3A_3] : memref<64x2xf32, #tpu.memory_space<vmem>>[vector<16xi32>, vector<16xi32>], vector<16xf32>,
          tpu.vector_store_idx %arg7[%add3A_495, %broadcast_in_dim3A_1, %add3A_15], %gather3A_518 : memref<40x1x256xf32, #tpu.memory_space<vmem>>[vector<16xi32>, vector<16xi32>, vector<16xi32>], vector<16xf32>,
          tpu.vector_store_idx %arg7[%add3A_495, %broadcast_in_dim3A_1, %add3A_51], %gather3A_519 : memref<40x1x256xf32, #tpu.memory_space<vmem>>[vector<16xi32>, vector<16xi32>, vector<16xi32>], vector<16xf32>,
          %add3A_520 = arith.constant 896 : i32
          %add3A_521 = vector.broadcast %add3A_520 : i32 to vector<16xi32>
          %add3A_522 = arith.addi %add3A_18, %add3A_521 : vector<16xi32>
          %gather3A_523 = tpu.vector_load_idx %arg6[%add3A_112, %broadcast_in_dim3A_1, %add3A_522] : memref<5x1x1024xi32, #tpu.memory_space<vmem>>[vector<16xi32>, vector<16xi32>, vector<16xi32>], vector<16xi32>,
          %gather3A_524 = tpu.vector_load_idx %arg5[%gather3A_523, %broadcast_in_dim3A_1] : memref<64x2xf32, #tpu.memory_space<vmem>>[vector<16xi32>, vector<16xi32>], vector<16xf32>,
          %gather3A_525 = tpu.vector_load_idx %arg5[%gather3A_523, %broadcast_in_dim3A_3] : memref<64x2xf32, #tpu.memory_space<vmem>>[vector<16xi32>, vector<16xi32>], vector<16xf32>,
          tpu.vector_store_idx %arg7[%add3A_495, %broadcast_in_dim3A_1, %add3A_18], %gather3A_524 : memref<40x1x256xf32, #tpu.memory_space<vmem>>[vector<16xi32>, vector<16xi32>, vector<16xi32>], vector<16xf32>,
          tpu.vector_store_idx %arg7[%add3A_495, %broadcast_in_dim3A_1, %add3A_57], %gather3A_525 : memref<40x1x256xf32, #tpu.memory_space<vmem>>[vector<16xi32>, vector<16xi32>, vector<16xi32>], vector<16xf32>,
          %add3A_526 = arith.constant 896 : i32
          %add3A_527 = vector.broadcast %add3A_526 : i32 to vector<16xi32>
          %add3A_528 = arith.addi %add3A_21, %add3A_527 : vector<16xi32>
          %gather3A_529 = tpu.vector_load_idx %arg6[%add3A_112, %broadcast_in_dim3A_1, %add3A_528] : memref<5x1x1024xi32, #tpu.memory_space<vmem>>[vector<16xi32>, vector<16xi32>, vector<16xi32>], vector<16xi32>,
          %gather3A_530 = tpu.vector_load_idx %arg5[%gather3A_529, %broadcast_in_dim3A_1] : memref<64x2xf32, #tpu.memory_space<vmem>>[vector<16xi32>, vector<16xi32>], vector<16xf32>,
          %gather3A_531 = tpu.vector_load_idx %arg5[%gather3A_529, %broadcast_in_dim3A_3] : memref<64x2xf32, #tpu.memory_space<vmem>>[vector<16xi32>, vector<16xi32>], vector<16xf32>,
          tpu.vector_store_idx %arg7[%add3A_495, %broadcast_in_dim3A_1, %add3A_21], %gather3A_530 : memref<40x1x256xf32, #tpu.memory_space<vmem>>[vector<16xi32>, vector<16xi32>, vector<16xi32>], vector<16xf32>,
          tpu.vector_store_idx %arg7[%add3A_495, %broadcast_in_dim3A_1, %add3A_63], %gather3A_531 : memref<40x1x256xf32, #tpu.memory_space<vmem>>[vector<16xi32>, vector<16xi32>, vector<16xi32>], vector<16xf32>,
          %add3A_532 = arith.constant 896 : i32
          %add3A_533 = vector.broadcast %add3A_532 : i32 to vector<16xi32>
          %add3A_534 = arith.addi %add3A_24, %add3A_533 : vector<16xi32>
          %gather3A_535 = tpu.vector_load_idx %arg6[%add3A_112, %broadcast_in_dim3A_1, %add3A_534] : memref<5x1x1024xi32, #tpu.memory_space<vmem>>[vector<16xi32>, vector<16xi32>, vector<16xi32>], vector<16xi32>,
          %gather3A_536 = tpu.vector_load_idx %arg5[%gather3A_535, %broadcast_in_dim3A_1] : memref<64x2xf32, #tpu.memory_space<vmem>>[vector<16xi32>, vector<16xi32>], vector<16xf32>,
          %gather3A_537 = tpu.vector_load_idx %arg5[%gather3A_535, %broadcast_in_dim3A_3] : memref<64x2xf32, #tpu.memory_space<vmem>>[vector<16xi32>, vector<16xi32>], vector<16xf32>,
          tpu.vector_store_idx %arg7[%add3A_495, %broadcast_in_dim3A_1, %add3A_24], %gather3A_536 : memref<40x1x256xf32, #tpu.memory_space<vmem>>[vector<16xi32>, vector<16xi32>, vector<16xi32>], vector<16xf32>,
          tpu.vector_store_idx %arg7[%add3A_495, %broadcast_in_dim3A_1, %add3A_69], %gather3A_537 : memref<40x1x256xf32, #tpu.memory_space<vmem>>[vector<16xi32>, vector<16xi32>, vector<16xi32>], vector<16xf32>,
          %add3A_538 = arith.constant 896 : i32
          %add3A_539 = vector.broadcast %add3A_538 : i32 to vector<16xi32>
          %add3A_540 = arith.addi %add3A_27, %add3A_539 : vector<16xi32>
          %gather3A_541 = tpu.vector_load_idx %arg6[%add3A_112, %broadcast_in_dim3A_1, %add3A_540] : memref<5x1x1024xi32, #tpu.memory_space<vmem>>[vector<16xi32>, vector<16xi32>, vector<16xi32>], vector<16xi32>,
          %gather3A_542 = tpu.vector_load_idx %arg5[%gather3A_541, %broadcast_in_dim3A_1] : memref<64x2xf32, #tpu.memory_space<vmem>>[vector<16xi32>, vector<16xi32>], vector<16xf32>,
          %gather3A_543 = tpu.vector_load_idx %arg5[%gather3A_541, %broadcast_in_dim3A_3] : memref<64x2xf32, #tpu.memory_space<vmem>>[vector<16xi32>, vector<16xi32>], vector<16xf32>,
          tpu.vector_store_idx %arg7[%add3A_495, %broadcast_in_dim3A_1, %add3A_27], %gather3A_542 : memref<40x1x256xf32, #tpu.memory_space<vmem>>[vector<16xi32>, vector<16xi32>, vector<16xi32>], vector<16xf32>,
          tpu.vector_store_idx %arg7[%add3A_495, %broadcast_in_dim3A_1, %add3A_75], %gather3A_543 : memref<40x1x256xf32, #tpu.memory_space<vmem>>[vector<16xi32>, vector<16xi32>, vector<16xi32>], vector<16xf32>,
          %scan3A_544 = arith.constant 0 : i32
          scf.yield %scan3A_544 : i32
        }
        %scan3A_105 = arith.constant 5 : i32
        %mul3A_106 = arith.constant 8 : i32
        %mul3A_107 = arith.muli %mul3A_106, %mul3A_98 : i32
        "tpu.region"() ({
          %run_scoped3A = tpu.sem_alloc : memref<!tpu.dma_semaphore, #tpu.memory_space<semaphore_mem>>
          %dma_start3A = arith.constant 0 : i32
          %dma_start3A_109 = tpu.memref_slice %arg4[%mul3A_107, %add3A_86, %dma_start3A] : memref<200x128x256xf32, #tpu.memory_space<hbm>> -> memref<40x1x256xf32, #tpu.memory_space<hbm>>
          %dma_start3A_110 = arith.constant 0 : i32
          %dma_start3A_111 = tpu.memref_slice %arg4[%mul3A_107, %add3A_86, %dma_start3A_110] : memref<200x128x256xf32, #tpu.memory_space<hbm>> -> memref<40x1x256xf32, #tpu.memory_space<hbm>>
          tpu.enqueue_dma source(%arg7 : memref<40x1x256xf32, #tpu.memory_space<vmem>>) target(%dma_start3A_111 : memref<40x1x256xf32, #tpu.memory_space<hbm>>) target_semaphore(%run_scoped3A : memref<!tpu.dma_semaphore, #tpu.memory_space<semaphore_mem>>)
          %dma_wait3A = arith.constant 0 : i32
          %dma_wait3A_112 = tpu.memref_slice %arg4[%mul3A_107, %add3A_86, %dma_wait3A] : memref<200x128x256xf32, #tpu.memory_space<hbm>> -> memref<40x1x256xf32, #tpu.memory_space<hbm>>
          %dma_wait3A_113 = arith.constant 0 : i32
          %dma_wait3A_114 = tpu.memref_slice %arg4[%mul3A_107, %add3A_86, %dma_wait3A_113] : memref<200x128x256xf32, #tpu.memory_space<hbm>> -> memref<40x1x256xf32, #tpu.memory_space<hbm>>
          tpu.wait_dma2 semaphore(%run_scoped3A : memref<!tpu.dma_semaphore, #tpu.memory_space<semaphore_mem>>) src(%arg7 : memref<40x1x256xf32, #tpu.memory_space<vmem>>) dst(%dma_wait3A_114 : memref<40x1x256xf32, #tpu.memory_space<hbm>>)
          tpu.yield
        }) : () -> ()
        %scan3A_108 = arith.constant 0 : i32
        scf.yield %scan3A_108 : i32
      }
      %scan3A_93 = arith.constant 5 : i32
      %scan3A_94 = arith.constant 0 : i32
      scf.yield %scan3A_94 : i32
    }
    %scan3A_81 = arith.constant 4 : i32
    return
  }
}

</mosaic_0001>

<sc_bundles>
// kernel: kernel.3.cloned.1.call-start
scs
__scs_entry_jumppad:
0x0: {  	(pc) =	sbr.rel $0x88, $3  }
0x1: {  	(tag) =	ssettag $0x0;
	lr =	simm.s32 $0x1  }
0x2: {  	[smem:$0x3F9F] =	sst lr;
	_ =	strace $0xD0000000  }
0x3: {  	_ = 	snop  }
0x4: {  	_ = 	snop  }
0x5: {  	_ = 	snop  }
0x6: {  	_ = 	snop  }
0x7: {  	_ = 	snop  }
__scs_overlays_trampoline_lowered:
0x8: {  	[smem:$0x3FAE] =	sst s0  }
0x9: {  	[smem:$0x3FAF] =	sst s1  }
0xa: {  	[smem:$0x3FB0] =	sst s2  }
0xb: {  	[smem:$0x3FB1] =	sst s3  }
0xc: {  	[smem:$0x3FB2] =	sst s4  }
0xd: {  	[smem:$0x3FB3] =	sst s5  }
0xe: {  	[smem:$0x3FB4] =	sst s6  }
0xf: {  	[smem:$0x3FB5] =	sst s7  }
0x10: {  	[smem:$0x3FB6] =	sst s8  }
0x11: {  	[smem:$0x3FB7] =	sst s9;
	s0 =	simm.s32 @!p0 $0x0  }
0x12: {  	s1 =	sld [smem:$0x3F9D];
	s0 =	simm.s32 @p0 $0x1  }
0x13: {  	[smem:$0x3FB8] =	sst s0;
	s0 =	simm.s32 @!p1 $0x0  }
0x14: {  	s2 =	sld [smem:$0x3F9C];
	s0 =	simm.s32 @p1 $0x1  }
0x15: {  	[smem:$0x3FB9] =	sst s0;
	s0 =	simm.s32 @!p2 $0x0  }
0x16: {  	s3 =	sld [smem:$0x3FDB];
	s0 =	simm.s32 @p2 $0x1  }
0x17: {  	s4 =	simm.s32 $0x1BF5;
	[smem:$0x3FBB] =	sst s0  }
0x18: {  	s0 =	sld [smem:$0x3F9E];
	_ =	swait.ge [sflag:s4], $0x0  }
0x19: {  	s7 =	sld [smem:$0x3F9F]  }
0x1a: {  	s8 =	sadd.s32 $0xFFFFE003, lr  }
0x1b: {  	s9 =	sadd.s32 $0xFFFFFEF7, lr;
	s5 =	simm.s32 $0xFFFFFFFF;
	p2 =	slt.u32 s8, $0xFFFFF086  }
0x1c: {  	p1 =	slt.u32 s9, $0xF7A;
	s5 =	simm.s32 @!p2 $0x0  }
0x1d: {  	s5 =	simm.s32 @p1 $0x1;
	p0 =	seq.s32 s7, s2  }
0x1e: {  	s7 =	smul.u32 @!p0 $0xF7A, s2;
	p2 =	seq.s32 @!p0 s5, $0x0  }
0x1f: {  	s9 =	smul.u32 $0xF7A, s1;
	s8 =	simm.s32 @!p0 $0x1BF5;
	p2 =	por !p2, p0  }
0x20: {  	[sflag:s8] =	ssyncset.s32 @!p0 $0xFFFFF086;
	s6 =	sadd.s32 @!p0 s3, s7;
	s7 =	simm.s32 @!p0 $0x108  }
0x21: {  	s3 =	sadd.s32 s3, s9;
	s6 =	sadd.s32 @!p0 $0x88, s6;
	s7 =	simm.s32 @p2 $0x1082  }
0x22: {  	[simem:s7], [sflag:s8] =	dma.local @!p0 [hbm:s6], $0xF7A  }
0x23: {  	s9 =	sor.u32 $0xD0000000, s2;
	s6 =	simm.s32 $0x108;
	_ =	swait.ge @!p0 [sflag:s8], $0x0  }
0x24: {  	s3 =	sadd.s32 $0x88, s3;
	s6 =	simm.s32 @!p1 $0x1082;
	[sflag:s4] =	ssyncset.s32 $0xFFFFF086  }
0x25: {  	[simem:s6], [sflag:s4] =	dma.local [hbm:s3], $0xF7A  }
0x26: {  	[smem:$0x3F9F] =	sst s1;
	(tag) =	ssettag s2;
	_ =	strace s9  }
0x27: {  	s1 =	sld [smem:$0x3FAF]  }
0x28: {  	s2 =	sld [smem:$0x3FB0]  }
0x29: {  	s4 =	sld [smem:$0x3FB2]  }
0x2a: {  	p0 =	seq.s32 s5, $0x0;
	s5 =	sld [smem:$0x3FB3]  }
0x2b: {  	s6 =	sld [smem:$0x3FB4]  }
0x2c: {  	s7 =	sld [smem:$0x3FB5]  }
0x2d: {  	s3 =	simm.s32 $0x108;
	s8 =	sld [smem:$0x3FB6]  }
0x2e: {  	s3 =	simm.s32 @!p0 $0x1082;
	s9 =	sld [smem:$0x3FB7]  }
0x2f: {  	lr =	sadd.s32 s0, s3;
	s0 =	sld [smem:$0x3FAE]  }
0x30: {  	s3 =	sld [smem:$0x3FB1]  }
0x31: {  	[smem:$0x3FBA] =	sst s10  }
0x32: {  	s10 =	sld [smem:$0x3FB8];
	_ =	sdelay $0x3  }
0x33: {  	p0 =	seq.s32 s10, $0x1;
	s10 =	sld [smem:$0x3FBA];
	_ =	sdelay $0x3  }
0x34: {  	[smem:$0x3FBA] =	sst s10  }
0x35: {  	s10 =	sld [smem:$0x3FB9];
	_ =	sdelay $0x3  }
0x36: {  	p1 =	seq.s32 s10, $0x1;
	s10 =	sld [smem:$0x3FBA];
	_ =	sdelay $0x3  }
0x37: {  	[smem:$0x3FBA] =	sst s10  }
0x38: {  	s10 =	sld [smem:$0x3FBB]  }
0x39: {  	_ = 	snop;
	(pc) =	sbr.ind lr, $3  }
0x3a: {  	_ = 	snop  }
0x3b: {  	_ = 	snop  }
0x3c: {  	p2 =	seq.s32 s10, $0x1;
	s10 =	sld [smem:$0x3FBA]  }
0x3d: {  	_ =	shalt  }
0x3e: {  	_ =	shalt  }
0x3f: {  	_ =	shalt  }
0x40: {  	_ =	shalt  }
0x41: {  	_ =	shalt  }
0x42: {  	_ =	shalt  }
0x43: {  	_ =	shalt  }
0x44: {  	_ =	shalt  }
0x45: {  	_ =	shalt  }
0x46: {  	_ =	shalt  }
0x47: {  	_ =	shalt  }
0x48: {  	_ =	shalt  }
0x49: {  	_ =	shalt  }
0x4a: {  	_ =	shalt  }
0x4b: {  	_ =	shalt  }
0x4c: {  	_ =	shalt  }
0x4d: {  	_ =	shalt  }
0x4e: {  	_ =	shalt  }
0x4f: {  	_ =	shalt  }
0x50: {  	_ =	shalt  }
0x51: {  	_ =	shalt  }
0x52: {  	_ =	shalt  }
0x53: {  	_ =	shalt  }
0x54: {  	_ =	shalt  }
0x55: {  	_ =	shalt  }
0x56: {  	_ =	shalt  }
0x57: {  	_ =	shalt  }
0x58: {  	_ =	shalt  }
0x59: {  	_ =	shalt  }
0x5a: {  	_ =	shalt  }
0x5b: {  	_ =	shalt  }
0x5c: {  	_ =	shalt  }
0x5d: {  	_ =	shalt  }
0x5e: {  	_ =	shalt  }
0x5f: {  	_ =	shalt  }
0x60: {  	_ =	shalt  }
0x61: {  	_ =	shalt  }
0x62: {  	_ =	shalt  }
0x63: {  	_ =	shalt  }
0x64: {  	_ =	shalt  }
0x65: {  	_ =	shalt  }
0x66: {  	_ =	shalt  }
0x67: {  	_ =	shalt  }
0x68: {  	_ =	shalt  }
0x69: {  	_ =	shalt  }
0x6a: {  	_ =	shalt  }
0x6b: {  	_ =	shalt  }
0x6c: {  	_ =	shalt  }
0x6d: {  	_ =	shalt  }
0x6e: {  	_ =	shalt  }
0x6f: {  	_ =	shalt  }
0x70: {  	_ =	shalt  }
0x71: {  	_ =	shalt  }
0x72: {  	_ =	shalt  }
0x73: {  	_ =	shalt  }
0x74: {  	_ =	shalt  }
0x75: {  	_ =	shalt  }
0x76: {  	_ =	shalt  }
0x77: {  	_ =	shalt  }
0x78: {  	_ =	shalt  }
0x79: {  	_ =	shalt  }
0x7a: {  	_ =	shalt  }
0x7b: {  	_ =	shalt  }
0x7c: {  	_ =	shalt  }
0x7d: {  	_ =	shalt  }
0x7e: {  	_ =	shalt  }
0x7f: {  	_ =	shalt  }
0x80: {  	_ =	shalt  }
0x81: {  	_ =	shalt  }
0x82: {  	_ =	shalt  }
0x83: {  	_ =	shalt  }
0x84: {  	_ =	shalt  }
0x85: {  	_ =	shalt  }
0x86: {  	_ =	shalt  }
0x87: {  	_ =	shalt  }
.Lfunc_end0:
.L_simem_size_0:
called_computation_lowered:
.L_overlay_start_0:
0x88: {  	s2 =	sld [smem:$0x3FD9]  }
0x89: {  	s3 =	sld [smem:$0x3FFE];
	_ =	sdelay $0x1  }
0x8a: {  	s1 =	srdreg.scid  }
0x8b: {  	s0 =	sand.u32 $0x1, s1  }
0x8c: {  	s17 =	sshll.u32 s0, $0xA;
	s2 =	sadd.s32 s3, s2  }
0x8d: {  	s2 =	sadd.s32 s2, s17  }
0x8e: {  	[smem:$0x3FC6] =	sst s2  }
0x8f: {  	_ = 	snop  }
0x90: {  	s2 =	sld [smem:$0x3FC9]  }
0x91: {  	s18 =	sld [smem:$0x3FD0];
	(tm) =	ssettm $0x1  }
0x92: {  	s4 =	sld [smem:$0x3FFB];
	_ =	sdelay $0x3  }
0x93: {  	_ =	strace s4  }
0x94: {  	s4 =	sld [smem:$0x3FFC];
	_ =	sdelay $0x3  }
0x95: {  	_ =	strace s4  }
0x96: {  	s4 =	sld [smem:$0x3FFD];
	_ =	sdelay $0x3  }
0x97: {  	_ =	strace s4  }
0x98: {  	_ =	strace $0x8FFFFFFF  }
0x99: {  	s19 =	sld [smem:$0x3FDB];
	_ =	sdelay $0x1  }
0x9a: {  	s5 =	simm.s32 $_scs_section_size  }
0x9b: {  	s6 =	simm.s32 $_size__tile_overlayer_lowered;
	s7 =	simm.s32 $_tile_overlayer_lowered  }
0x9c: {  	s22 =	simm.s32 $0x1BFF;
	s21 =	sshll.u32 s7, $0x1;
	s4 =	sadd.s32 s5, s19  }
0x9d: {  	s8 =	simm.s32 $0x0;
	s20 =	sshll.u32 s6, $0x1;
	s6 =	sadd.s32 s21, s4  }
0x9e: {  	[timem:s8], [sflag:s22] =	dma.local [hbm:s6], s20  }
0x9f: {  	_ =	swait.ge [sflag:s22], s20  }
0xa0: {  	s5 =	ssub.s32 $0x0, s20;
	[sflag:s22] =	ssyncset.done $0x0  }
0xa1: {  	[sflag:s22] =	ssyncadd.s32 s5;
	_ =	sdelay $0x1  }
0xa2: {  	s23 =	simm.s32 $0x1B8B  }
0xa3: {  	_ =	swait.ge [sflag:s23], $0x1  }
0xa4: {  	[sflag:s23] =	ssyncset.done $0x0  }
0xa5: {  	s25 =	simm.s32 $0x1B8E;
	s24 =	sld [smem:$0x3FFE];
	[sflag:s23] =	ssyncadd.s32 $0xFFFFFFFF  }
0xa6: {  	s26 =	simm.s32 $execute0_lowered;
	[smem:$0x3FD2] =	sst s25  }
0xa7: {  	s6 =	sshll.u32 s26, $0x1;
	_ =	strace $0x80000046;
	[dreg:$0x1] =	wrdreg $0xFFFFFFFF  }
0xa8: {  	s28 =	simm.s32 $_size_execute0_lowered;
	s4 =	sadd.s32 s4, s6;
	[dreg:$0x0] =	wrdreg $0x0  }
0xa9: {  	s6 =	sshll.u32 s28, $0x1;
	[dreg:$0x2] =	wrdreg s4  }
0xaa: {  	[dreg:$0x3] =	wrdreg s6  }
0xab: {  	[dreg:$0x4] =	wrdreg $0xC0  }
0xac: {  	_ =	task [dreg:s8], $0x5FFFF  }
0xad: {  	[dreg:$0x1] =	wrdreg $0xFFFFFFFF  }
0xae: {  	[dreg:$0x0] =	wrdreg $0x60  }
0xaf: {  	[dreg:$0x2] =	wrdreg s2  }
0xb0: {  	[dreg:$0x3] =	wrdreg s24  }
0xb1: {  	[dreg:$0x4] =	wrdreg s18  }
0xb2: {  	[dreg:$0x5] =	wrdreg $0x9  }
0xb3: {  	_ =	task.clear_ibuf [dreg:s8], $0x6FFFF;
	_ =	strace $0x90000046  }
0xb4: {  	s29 =	simm.s32 $0x9;
	_ =	strace $0x80000048  }
0xb5: {  	_ =	swait.ge [sflag:s29], $0x1  }
0xb6: {  	[sflag:s29] =	ssyncadd.s32 $0xFFFFFFFF  }
0xb7: {  	_ =	strace $0x90000048  }
0xb8: {  	_ =	sfence  }
0xb9: {  	s30 =	sld [smem:$0x0];
	_ =	sdelay $0x2  }
0xba: {  	s31 =	sshll.u32 s1, $0xD;
	s1 =	sshrl.u32 s1, $0x2  }
0xbb: {  	s3 =	sand.u32 $0x4000, s31;
	s1 =	sadd.s32 s1, s30  }
0xbc: {  	s0 =	sor.u32 s3, s0;
	s1 =	sshll.u32 s1, $0x11  }
0xbd: {  	s0 =	sor.u32 s1, s0  }
0xbe: {  	s0 =	sadd.s32 $0x8F2B, s0  }
0xbf: {  	[sflag:s0] =	ssyncadd.remote.s32 $0x1  }
0xc0: {  	_ =	sfence.sel $0xFFFF  }
0xc1: {  	[dreg:$0x0] =	wrdreg $0xFFFFFFFF;
	(pc) =	sbr.abs _section_cstart, $3  }
0xc2: {  	[dreg:$0x1] =	wrdreg $0xFFFFFFFF  }
0xc3: {  	_ =	task.clear_ibuf [dreg:s8], $0x2FFFF;
	_ =	strace $0x9FFFFFFF  }
0xc4: {  	(tm) =	ssettm $0x7FFFFFFF  }
0xc5: {  	_ =	shalt  }
tec
execute0_lowered:
.L_overlay_start_1:
0x0: {  	(tag) =	ssettag $0x1  }
0x1: {  	v0 =	vlaneseq.u32  }
0x2: {  	v1 =	vor.u32 $0x90, v0  }
0x3: {  	[tilespmem:$0x1FC40] =	vst v1;
	v1 =	vor.u32 $0x20, v0  }
0x4: {  	[tilespmem:$0x1FC50] =	vst v1;
	v1 =	vor.u32 $0xA0, v0  }
0x5: {  	[tilespmem:$0x1FC60] =	vst v1;
	v1 =	vor.u32 $0x30, v0  }
0x6: {  	[tilespmem:$0x1FC70] =	vst v1;
	v1 =	vor.u32 $0xB0, v0  }
0x7: {  	[tilespmem:$0x1FC80] =	vst v1;
	v1 =	vor.u32 $0x40, v0  }
0x8: {  	[tilespmem:$0x1FC90] =	vst v1;
	v1 =	vor.u32 $0xC0, v0  }
0x9: {  	[tilespmem:$0x1FCA0] =	vst v1;
	v1 =	vor.u32 $0x50, v0  }
0xa: {  	[tilespmem:$0x1FCB0] =	vst v1;
	v1 =	vor.u32 $0xD0, v0  }
0xb: {  	[tilespmem:$0x1FCC0] =	vst v1;
	v1 =	vor.u32 $0x60, v0  }
0xc: {  	[tilespmem:$0x1FCD0] =	vst v1;
	v1 =	vor.u32 $0xE0, v0  }
0xd: {  	[tilespmem:$0x1FCE0] =	vst v1;
	v1 =	vor.u32 $0x70, v0  }
0xe: {  	[tilespmem:$0x1FCF0] =	vst v1;
	v1 =	vor.u32 $0xF0, v0  }
0xf: {  	[tilespmem:$0x1FD00] =	vst v1;
	v1 =	vor.u32 $0x100, v0  }
0x10: {  	[tilespmem:$0x1FD10] =	vst v1;
	v1 =	vor.u32 $0x180, v0  }
0x11: {  	[tilespmem:$0x1FD20] =	vst v1;
	v1 =	vor.u32 $0x110, v0  }
0x12: {  	[tilespmem:$0x1FD30] =	vst v1;
	v1 =	vor.u32 $0x190, v0  }
0x13: {  	[tilespmem:$0x1FD40] =	vst v1;
	v1 =	vor.u32 $0x120, v0  }
0x14: {  	[tilespmem:$0x1FD50] =	vst v1;
	v1 =	vor.u32 $0x1A0, v0  }
0x15: {  	[tilespmem:$0x1FD60] =	vst v1;
	v1 =	vor.u32 $0x130, v0  }
0x16: {  	[tilespmem:$0x1FD70] =	vst v1;
	v1 =	vor.u32 $0x1B0, v0  }
0x17: {  	[tilespmem:$0x1FD80] =	vst v1;
	v1 =	vor.u32 $0x140, v0  }
0x18: {  	[tilespmem:$0x1FD90] =	vst v1;
	v1 =	vor.u32 $0x1C0, v0  }
0x19: {  	[tilespmem:$0x1FDA0] =	vst v1;
	v1 =	vor.u32 $0x150, v0  }
0x1a: {  	[tilespmem:$0x1FDB0] =	vst v1;
	v1 =	vor.u32 $0x1D0, v0  }
0x1b: {  	[tilespmem:$0x1FDC0] =	vst v1;
	v1 =	vor.u32 $0x160, v0  }
0x1c: {  	[tilespmem:$0x1FDD0] =	vst v1;
	v1 =	vor.u32 $0x1E0, v0  }
0x1d: {  	[tilespmem:$0x1FDE0] =	vst v1;
	v1 =	vor.u32 $0x170, v0  }
0x1e: {  	[tilespmem:$0x1FDF0] =	vst v1;
	v1 =	vor.u32 $0x1F0, v0  }
0x1f: {  	[tilespmem:$0x1FE00] =	vst v1;
	v1 =	vor.u32 $0x200, v0  }
0x20: {  	[tilespmem:$0x1FE10] =	vst v1;
	v1 =	vor.u32 $0x280, v0  }
0x21: {  	[tilespmem:$0x1FE20] =	vst v1;
	v1 =	vor.u32 $0x210, v0  }
0x22: {  	[tilespmem:$0x1FE30] =	vst v1;
	v1 =	vor.u32 $0x290, v0  }
0x23: {  	[tilespmem:$0x1FE40] =	vst v1;
	v1 =	vor.u32 $0x220, v0  }
0x24: {  	[tilespmem:$0x1FE50] =	vst v1;
	v1 =	vor.u32 $0x2A0, v0  }
0x25: {  	[tilespmem:$0x1FE60] =	vst v1;
	v1 =	vor.u32 $0x230, v0  }
0x26: {  	[tilespmem:$0x1FE70] =	vst v1;
	v1 =	vor.u32 $0x2B0, v0  }
0x27: {  	[tilespmem:$0x1FE80] =	vst v1;
	v1 =	vor.u32 $0x240, v0  }
0x28: {  	[tilespmem:$0x1FE90] =	vst v1;
	v1 =	vor.u32 $0x2C0, v0  }
0x29: {  	[tilespmem:$0x1FEA0] =	vst v1;
	v1 =	vor.u32 $0x250, v0  }
0x2a: {  	s0 =	rddreg [dreg:$0x0];
	[tilespmem:$0x1FEB0] =	vst v1;
	v1 =	vor.u32 $0x2D0, v0  }
0x2b: {  	s5 =	rddreg [dreg:$0x1];
	[tilespmem:$0x1FEC0] =	vst v1;
	v1 =	vor.u32 $0x260, v0  }
0x2c: {  	s2 =	rddreg [dreg:$0x2];
	s3 =	simm.s32 $0x0;
	[tilespmem:$0x1FED0] =	vst v1;
	v1 =	vor.u32 $0x2E0, v0  }
0x2d: {  	[smem:$0x7FF] =	sst s3;
	[tilespmem:$0x1FEE0] =	vst v1;
	v1 =	vor.u32 $0x270, v0  }
0x2e: {  	s1 =	rddreg [dreg:$0x3];
	_ =	strace $0x80000047;
	[tilespmem:$0x1FEF0] =	vst v1;
	v1 =	vor.u32 $0x2F0, v0  }
0x2f: {  	[tilespmem:$0x1FF00] =	vst v1;
	v1 =	vor.u32 $0x300, v0  }
0x30: {  	[tilespmem:$0x1FF10] =	vst v1;
	v1 =	vor.u32 $0x380, v0  }
0x31: {  	[tilespmem:$0x1FF20] =	vst v1;
	v1 =	vor.u32 $0x310, v0  }
0x32: {  	[tilespmem:$0x1FF30] =	vst v1;
	v1 =	vor.u32 $0x390, v0  }
0x33: {  	[tilespmem:$0x1FF40] =	vst v1;
	v1 =	vor.u32 $0x320, v0  }
0x34: {  	[tilespmem:$0x1FF50] =	vst v1;
	v1 =	vor.u32 $0x3A0, v0  }
0x35: {  	[tilespmem:$0x1FF60] =	vst v1;
	v1 =	vor.u32 $0x330, v0  }
0x36: {  	[tilespmem:$0x1FF70] =	vst v1;
	v1 =	vor.u32 $0x3B0, v0  }
0x37: {  	[tilespmem:$0x1FF80] =	vst v1;
	v1 =	vor.u32 $0x340, v0  }
0x38: {  	s4 =	srdreg.scid;
	[tilespmem:$0x1FF90] =	vst v1;
	v1 =	vor.u32 $0x3C0, v0  }
0x39: {  	s10 =	simm.s32 $0x20000;
	s11 =	simm.s32 $0x200;
	s12 =	simm.s32 $0x1600;
	[tilespmem:$0x1FFA0] =	vst v1;
	v1 =	vor.u32 $0x350, v0  }
0x3a: {  	s13 =	simm.s32 $0x100;
	s14 =	simm.s32 $0x8000;
	s6 =	sand.u32 $0x1, s4;
	[tilespmem:$0x1FFB0] =	vst v1;
	v1 =	vor.u32 $0x3D0, v0  }
0x3b: {  	s15 =	simm.s32 $0x0;
	s4 =	stileid.u32;
	s7 =	ssub.s32 $0x2, s6;
	[tilespmem:$0x1FFC0] =	vst v1;
	v1 =	vor.u32 $0x360, v0  }
0x3c: {  	s9 =	sshll.u32 s4, $0x3;
	s6 =	sshll.u32 s6, $0x2;
	s8 =	sshrl.u32 s7, $0x1;
	[tilespmem:$0x1FFD0] =	vst v1;
	v1 =	vor.u32 $0x3E0, v0  }
0x3d: {  	s5 =	sadd.s32 $0x400, s5;
	s6 =	sor.u32 s6, s9;
	s7 =	ssub.s32 s7, s8;
	[tilespmem:$0x1FFE0] =	vst v1;
	v1 =	vor.u32 $0x370, v0  }
0x3e: {  	v8 =	vor.u32 $0x80, v0;
	v9 =	vor.u32 $0x10, v0;
	v16 =	vor.u32 $0x3F0, v0;
	s9 =	simm.s32 $0x400;
	s8 =	simm.s32 $0x1;
	s7 =	smax.u32 s7, $0x1;
	[tilespmem:$0x1FFF0] =	vst v1  }
.LBB2_1:
0x3f: {  	[tilespmem:s3], [sflag:$0x1] =	stream.linear.gather [hbm4b:s5+s3], $0x200, $0x38;
	[tilespmem:$0x3E00] =	vst v63  }
0x40: {  	_ =	swait.ge [sflag:s8], $0x200  }
0x41: {  	[sflag:s8] =	ssyncset.done $0x0  }
0x42: {  	s16 =	simm.s32 $0x0;
	[sflag:s8] =	ssyncadd.s32 $0xFFFFFE00  }
.LBB2_2:
0x43: {  	s18 =	sadd.s32 s6, s16  }
0x44: {  	s19 =	simm.s32 $0x0;
	s17 =	sshll.u32 s18, $0xA;
	s18 =	sshll.u32 s18, $0x8  }
.LBB2_3:
0x45: {  	s20 =	smul.u32 $0xA0000, s19;
	_ =	sdelay $0x1  }
0x46: {  	s20 =	sadd.s32 s17, s20  }
0x47: {  	s20 =	sshrl.u32 s20, $0x3  }
0x48: {  	s20 =	sadd.s32 s0, s20  }
0x49: {  	[tilespmem:s11], [sflag:$0x1] =	stream.strided.gather [hbm4b:s20+s9], $0x1400, s10, s9, $0x38;
	[tilespmem:$0x3E00] =	vst v63  }
0x4a: {  	_ =	swait.ge [sflag:s8], $0x1400  }
0x4b: {  	v26 =	vld [tilespmem:$0x1FD40]  }
0x4c: {  	v27 =	vld [tilespmem:$0x1FD50]  }
0x4d: {  	v28 =	vld [tilespmem:$0x1FD60]  }
0x4e: {  	v29 =	vld [tilespmem:$0x1FD70]  }
0x4f: {  	v30 =	vld [tilespmem:$0x1FD80]  }
0x50: {  	v31 =	vld [tilespmem:$0x1FD90]  }
0x51: {  	v32 =	vld [tilespmem:$0x1FDA0]  }
0x52: {  	v33 =	vld [tilespmem:$0x1FDB0]  }
0x53: {  	v34 =	vld [tilespmem:$0x1FDC0]  }
0x54: {  	v35 =	vld [tilespmem:$0x1FDD0]  }
0x55: {  	v36 =	vld [tilespmem:$0x1FDE0]  }
0x56: {  	v37 =	vld [tilespmem:$0x1FDF0]  }
0x57: {  	v38 =	vld [tilespmem:$0x1FE00]  }
0x58: {  	v39 =	vld [tilespmem:$0x1FE10]  }
0x59: {  	v40 =	vld [tilespmem:$0x1FE20]  }
0x5a: {  	v41 =	vld [tilespmem:$0x1FE30]  }
0x5b: {  	v42 =	vld [tilespmem:$0x1FE40]  }
0x5c: {  	v43 =	vld [tilespmem:$0x1FE50]  }
0x5d: {  	v44 =	vld [tilespmem:$0x1FE60]  }
0x5e: {  	v45 =	vld [tilespmem:$0x1FE70]  }
0x5f: {  	v46 =	vld [tilespmem:$0x1FE80]  }
0x60: {  	v47 =	vld [tilespmem:$0x1FE90]  }
0x61: {  	v48 =	vld [tilespmem:$0x1FEA0]  }
0x62: {  	v49 =	vld [tilespmem:$0x1FEB0]  }
0x63: {  	v50 =	vld [tilespmem:$0x1FEC0]  }
0x64: {  	v51 =	vld [tilespmem:$0x1FED0]  }
0x65: {  	v52 =	vld [tilespmem:$0x1FEE0]  }
0x66: {  	v53 =	vld [tilespmem:$0x1FEF0]  }
0x67: {  	v54 =	vld [tilespmem:$0x1FF00]  }
0x68: {  	v55 =	vld [tilespmem:$0x1FF10]  }
0x69: {  	v56 =	vld [tilespmem:$0x1FF20]  }
0x6a: {  	v57 =	vld [tilespmem:$0x1FF30]  }
0x6b: {  	v58 =	vld [tilespmem:$0x1FF40]  }
0x6c: {  	v59 =	vld [tilespmem:$0x1FF50]  }
0x6d: {  	v60 =	vld [tilespmem:$0x1FF60]  }
0x6e: {  	v61 =	vld [tilespmem:$0x1FF70]  }
0x6f: {  	v62 =	vld [tilespmem:$0x1FF80]  }
0x70: {  	v63 =	vld [tilespmem:$0x1FF90]  }
0x71: {  	v10 =	vld [tilespmem:$0x1FFA0]  }
0x72: {  	v11 =	vld [tilespmem:$0x1FFB0]  }
0x73: {  	v12 =	vld [tilespmem:$0x1FFC0]  }
0x74: {  	v13 =	vld [tilespmem:$0x1FFD0]  }
0x75: {  	[sflag:s8] =	ssyncset.done $0x0;
	v14 =	vld [tilespmem:$0x1FFE0]  }
0x76: {  	s20 =	simm.s32 $0x0;
	v15 =	vld [tilespmem:$0x1FFF0];
	[sflag:s8] =	ssyncadd.s32 $0xFFFFEC00  }
.LBB2_4:
0x77: {  	v1 =	vmov s20  }
0x78: {  	v2 =	vshll.u32 v1, $0xA  }
0x79: {  	v3 =	vor.u32 v0, v2;
	_ =	sdelay $0x4  }
0x7a: {  	v3 =	vld.idx.msk [tilespmem:v3+s11+$0x0], $0xffff;
	_ =	sdelay $0x4  }
0x7b: {  	v3 =	vshll.u32 v3, $0x3  }
0x7c: {  	v4 =	vor.u32 $0x1, v3;
	_ =	sdelay $0x2  }
0x7d: {  	v1 =	vshll.u32 v1, $0xB  }
0x7e: {  	v5 =	vor.u32 v0, v1;
	v3 =	vld.idx.msk [tilespmem:v3+s3+$0x0], $0xffff  }
0x7f: {  	v6 =	vor.u32 v8, v1;
	v4 =	vld.idx.msk [tilespmem:v4+s3+$0x0], $0xffff  }
0x80: {  	v7 =	vor.u32 v9, v2;
	_ =	sdelay $0x2  }
0x81: {  	[tilespmem:v5+s12+$0x0] =	vst.idx.msk $0xffff, v3  }
0x82: {  	[tilespmem:v6+s12+$0x0] =	vst.idx.msk $0xffff, v4  }
0x83: {  	v3 =	vld.idx.msk [tilespmem:v7+s11+$0x0], $0xffff;
	_ =	sdelay $0x4  }
0x84: {  	v3 =	vshll.u32 v3, $0x3  }
0x85: {  	v17 =	vld [tilespmem:$0x1FC40];
	v20 =	vor.u32 $0x1, v3  }
0x86: {  	v18 =	vld [tilespmem:$0x1FC50];
	_ =	sdelay $0x2  }
0x87: {  	v21 =	vor.u32 v9, v1;
	v3 =	vld.idx.msk [tilespmem:v3+s3+$0x0], $0xffff  }
0x88: {  	v6 =	vor.u32 v17, v1;
	v4 =	vld.idx.msk [tilespmem:v20+s3+$0x0], $0xffff  }
0x89: {  	v7 =	vor.u32 v18, v2;
	_ =	sdelay $0x2  }
0x8a: {  	[tilespmem:v21+s12+$0x0] =	vst.idx.msk $0xffff, v3  }
0x8b: {  	[tilespmem:v6+s12+$0x0] =	vst.idx.msk $0xffff, v4  }
0x8c: {  	v3 =	vld.idx.msk [tilespmem:v7+s11+$0x0], $0xffff;
	_ =	sdelay $0x4  }
0x8d: {  	v3 =	vshll.u32 v3, $0x3  }
0x8e: {  	v23 =	vor.u32 v18, v1;
	v18 =	vld [tilespmem:$0x1FC60];
	v22 =	vor.u32 $0x1, v3  }
0x8f: {  	v19 =	vld [tilespmem:$0x1FC70];
	_ =	sdelay $0x2  }
0x90: {  	v3 =	vld.idx.msk [tilespmem:v3+s3+$0x0], $0xffff  }
0x91: {  	v6 =	vor.u32 v18, v1;
	v4 =	vld.idx.msk [tilespmem:v22+s3+$0x0], $0xffff  }
0x92: {  	v7 =	vor.u32 v19, v2;
	_ =	sdelay $0x2  }
0x93: {  	[tilespmem:v23+s12+$0x0] =	vst.idx.msk $0xffff, v3  }
0x94: {  	[tilespmem:v6+s12+$0x0] =	vst.idx.msk $0xffff, v4  }
0x95: {  	v3 =	vld.idx.msk [tilespmem:v7+s11+$0x0], $0xffff;
	_ =	sdelay $0x4  }
0x96: {  	v3 =	vshll.u32 v3, $0x3  }
0x97: {  	v20 =	vor.u32 $0x1, v3;
	_ =	sdelay $0x3  }
0x98: {  	v5 =	vor.u32 v19, v1;
	v19 =	vld [tilespmem:$0x1FC80]  }
0x99: {  	v4 =	vld.idx.msk [tilespmem:v20+s3+$0x0], $0xffff  }
0x9a: {  	v20 =	vld [tilespmem:$0x1FC90];
	_ =	sdelay $0x2  }
0x9b: {  	v3 =	vld.idx.msk [tilespmem:v3+s3+$0x0], $0xffff  }
0x9c: {  	v6 =	vor.u32 v19, v1  }
0x9d: {  	v7 =	vor.u32 v20, v2;
	_ =	sdelay $0x2  }
0x9e: {  	[tilespmem:v5+s12+$0x0] =	vst.idx.msk $0xffff, v3  }
0x9f: {  	[tilespmem:v6+s12+$0x0] =	vst.idx.msk $0xffff, v4  }
0xa0: {  	v3 =	vld.idx.msk [tilespmem:v7+s11+$0x0], $0xffff;
	_ =	sdelay $0x4  }
0xa1: {  	v3 =	vshll.u32 v3, $0x3  }
0xa2: {  	v21 =	vor.u32 $0x1, v3;
	_ =	sdelay $0x3  }
0xa3: {  	v5 =	vor.u32 v20, v1;
	v20 =	vld [tilespmem:$0x1FCA0]  }
0xa4: {  	v4 =	vld.idx.msk [tilespmem:v21+s3+$0x0], $0xffff  }
0xa5: {  	v21 =	vld [tilespmem:$0x1FCB0];
	_ =	sdelay $0x2  }
0xa6: {  	v3 =	vld.idx.msk [tilespmem:v3+s3+$0x0], $0xffff  }
0xa7: {  	v6 =	vor.u32 v20, v1  }
0xa8: {  	v7 =	vor.u32 v21, v2;
	_ =	sdelay $0x2  }
0xa9: {  	[tilespmem:v5+s12+$0x0] =	vst.idx.msk $0xffff, v3  }
0xaa: {  	[tilespmem:v6+s12+$0x0] =	vst.idx.msk $0xffff, v4  }
0xab: {  	v3 =	vld.idx.msk [tilespmem:v7+s11+$0x0], $0xffff;
	_ =	sdelay $0x4  }
0xac: {  	v3 =	vshll.u32 v3, $0x3  }
0xad: {  	v22 =	vor.u32 $0x1, v3;
	_ =	sdelay $0x3  }
0xae: {  	v5 =	vor.u32 v21, v1;
	v21 =	vld [tilespmem:$0x1FCC0]  }
0xaf: {  	v4 =	vld.idx.msk [tilespmem:v22+s3+$0x0], $0xffff  }
0xb0: {  	v22 =	vld [tilespmem:$0x1FCD0];
	_ =	sdelay $0x2  }
0xb1: {  	v3 =	vld.idx.msk [tilespmem:v3+s3+$0x0], $0xffff  }
0xb2: {  	v6 =	vor.u32 v21, v1  }
0xb3: {  	v7 =	vor.u32 v22, v2;
	_ =	sdelay $0x2  }
0xb4: {  	[tilespmem:v5+s12+$0x0] =	vst.idx.msk $0xffff, v3  }
0xb5: {  	[tilespmem:v6+s12+$0x0] =	vst.idx.msk $0xffff, v4  }
0xb6: {  	v3 =	vld.idx.msk [tilespmem:v7+s11+$0x0], $0xffff;
	_ =	sdelay $0x4  }
0xb7: {  	v3 =	vshll.u32 v3, $0x3  }
0xb8: {  	v23 =	vor.u32 $0x1, v3;
	_ =	sdelay $0x3  }
0xb9: {  	v5 =	vor.u32 v22, v1;
	v22 =	vld [tilespmem:$0x1FCE0]  }
0xba: {  	v4 =	vld.idx.msk [tilespmem:v23+s3+$0x0], $0xffff  }
0xbb: {  	v23 =	vld [tilespmem:$0x1FCF0];
	_ =	sdelay $0x2  }
0xbc: {  	v3 =	vld.idx.msk [tilespmem:v3+s3+$0x0], $0xffff  }
0xbd: {  	v6 =	vor.u32 v22, v1  }
0xbe: {  	v7 =	vor.u32 v23, v2;
	_ =	sdelay $0x2  }
0xbf: {  	[tilespmem:v5+s12+$0x0] =	vst.idx.msk $0xffff, v3  }
0xc0: {  	[tilespmem:v6+s12+$0x0] =	vst.idx.msk $0xffff, v4  }
0xc1: {  	v3 =	vld.idx.msk [tilespmem:v7+s11+$0x0], $0xffff;
	_ =	sdelay $0x4  }
0xc2: {  	v3 =	vshll.u32 v3, $0x3  }
0xc3: {  	v5 =	vor.u32 v23, v1;
	v23 =	vld [tilespmem:$0x1FD00];
	v4 =	vor.u32 $0x1, v3;
	_ =	sdelay $0x3  }
0xc4: {  	v3 =	vld.idx.msk [tilespmem:v3+s3+$0x0], $0xffff  }
0xc5: {  	v6 =	vor.u32 v23, v1;
	v4 =	vld.idx.msk [tilespmem:v4+s3+$0x0], $0xffff  }
0xc6: {  	v7 =	vor.u32 v8, v2;
	_ =	sdelay $0x2  }
0xc7: {  	[tilespmem:v5+s12+$0x0] =	vst.idx.msk $0xffff, v3  }
0xc8: {  	[tilespmem:v6+s12+$0x0] =	vst.idx.msk $0xffff, v4  }
0xc9: {  	v3 =	vld.idx.msk [tilespmem:v7+s11+$0x0], $0xffff;
	_ =	sdelay $0x4  }
0xca: {  	v24 =	vld [tilespmem:$0x1FD10];
	v3 =	vshll.u32 v3, $0x3  }
0xcb: {  	v25 =	vld [tilespmem:$0x1FD20];
	v4 =	vor.u32 $0x1, v3;
	_ =	sdelay $0x3  }
0xcc: {  	v5 =	vor.u32 v24, v1;
	v3 =	vld.idx.msk [tilespmem:v3+s3+$0x0], $0xffff  }
0xcd: {  	v6 =	vor.u32 v25, v1;
	v4 =	vld.idx.msk [tilespmem:v4+s3+$0x0], $0xffff  }
0xce: {  	v7 =	vor.u32 v17, v2;
	_ =	sdelay $0x2  }
0xcf: {  	[tilespmem:v5+s12+$0x0] =	vst.idx.msk $0xffff, v3  }
0xd0: {  	[tilespmem:v6+s12+$0x0] =	vst.idx.msk $0xffff, v4  }
0xd1: {  	v3 =	vld.idx.msk [tilespmem:v7+s11+$0x0], $0xffff;
	_ =	sdelay $0x4  }
0xd2: {  	v17 =	vld [tilespmem:$0x1FD30];
	v3 =	vshll.u32 v3, $0x3  }
0xd3: {  	v4 =	vor.u32 $0x1, v3;
	_ =	sdelay $0x3  }
0xd4: {  	v5 =	vor.u32 v17, v1;
	v3 =	vld.idx.msk [tilespmem:v3+s3+$0x0], $0xffff  }
0xd5: {  	v6 =	vor.u32 v26, v1;
	v4 =	vld.idx.msk [tilespmem:v4+s3+$0x0], $0xffff  }
0xd6: {  	v7 =	vor.u32 v18, v2;
	_ =	sdelay $0x2  }
0xd7: {  	[tilespmem:v5+s12+$0x0] =	vst.idx.msk $0xffff, v3  }
0xd8: {  	[tilespmem:v6+s12+$0x0] =	vst.idx.msk $0xffff, v4  }
0xd9: {  	v3 =	vld.idx.msk [tilespmem:v7+s11+$0x0], $0xffff;
	_ =	sdelay $0x4  }
0xda: {  	v3 =	vshll.u32 v3, $0x3  }
0xdb: {  	v4 =	vor.u32 $0x1, v3;
	_ =	sdelay $0x3  }
0xdc: {  	v5 =	vor.u32 v27, v1;
	v3 =	vld.idx.msk [tilespmem:v3+s3+$0x0], $0xffff  }
0xdd: {  	v6 =	vor.u32 v28, v1;
	v4 =	vld.idx.msk [tilespmem:v4+s3+$0x0], $0xffff  }
0xde: {  	v7 =	vor.u32 v19, v2;
	_ =	sdelay $0x2  }
0xdf: {  	[tilespmem:v5+s12+$0x0] =	vst.idx.msk $0xffff, v3  }
0xe0: {  	[tilespmem:v6+s12+$0x0] =	vst.idx.msk $0xffff, v4  }
0xe1: {  	v3 =	vld.idx.msk [tilespmem:v7+s11+$0x0], $0xffff;
	_ =	sdelay $0x4  }
0xe2: {  	v3 =	vshll.u32 v3, $0x3  }
0xe3: {  	v4 =	vor.u32 $0x1, v3;
	_ =	sdelay $0x3  }
0xe4: {  	v5 =	vor.u32 v29, v1;
	v3 =	vld.idx.msk [tilespmem:v3+s3+$0x0], $0xffff  }
0xe5: {  	v6 =	vor.u32 v30, v1;
	v4 =	vld.idx.msk [tilespmem:v4+s3+$0x0], $0xffff  }
0xe6: {  	v7 =	vor.u32 v20, v2;
	_ =	sdelay $0x2  }
0xe7: {  	[tilespmem:v5+s12+$0x0] =	vst.idx.msk $0xffff, v3  }
0xe8: {  	[tilespmem:v6+s12+$0x0] =	vst.idx.msk $0xffff, v4  }
0xe9: {  	v3 =	vld.idx.msk [tilespmem:v7+s11+$0x0], $0xffff;
	_ =	sdelay $0x4  }
0xea: {  	v3 =	vshll.u32 v3, $0x3  }
0xeb: {  	v4 =	vor.u32 $0x1, v3;
	_ =	sdelay $0x3  }
0xec: {  	v20 =	vor.u32 v31, v1;
	v3 =	vld.idx.msk [tilespmem:v3+s3+$0x0], $0xffff  }
0xed: {  	v6 =	vor.u32 v32, v1;
	v4 =	vld.idx.msk [tilespmem:v4+s3+$0x0], $0xffff  }
0xee: {  	v7 =	vor.u32 v21, v2;
	_ =	sdelay $0x2  }
0xef: {  	[tilespmem:v20+s12+$0x0] =	vst.idx.msk $0xffff, v3  }
0xf0: {  	[tilespmem:v6+s12+$0x0] =	vst.idx.msk $0xffff, v4  }
0xf1: {  	v3 =	vld.idx.msk [tilespmem:v7+s11+$0x0], $0xffff;
	_ =	sdelay $0x4  }
0xf2: {  	v3 =	vshll.u32 v3, $0x3  }
0xf3: {  	v20 =	vor.u32 $0x1, v3;
	_ =	sdelay $0x3  }
0xf4: {  	v21 =	vor.u32 v33, v1;
	v3 =	vld.idx.msk [tilespmem:v3+s3+$0x0], $0xffff  }
0xf5: {  	v6 =	vor.u32 v34, v1;
	v4 =	vld.idx.msk [tilespmem:v20+s3+$0x0], $0xffff  }
0xf6: {  	v7 =	vor.u32 v22, v2;
	_ =	sdelay $0x2  }
0xf7: {  	[tilespmem:v21+s12+$0x0] =	vst.idx.msk $0xffff, v3  }
0xf8: {  	[tilespmem:v6+s12+$0x0] =	vst.idx.msk $0xffff, v4  }
0xf9: {  	v3 =	vld.idx.msk [tilespmem:v7+s11+$0x0], $0xffff;
	_ =	sdelay $0x4  }
0xfa: {  	v3 =	vshll.u32 v3, $0x3  }
0xfb: {  	v20 =	vor.u32 $0x1, v3;
	_ =	sdelay $0x3  }
0xfc: {  	v21 =	vor.u32 v35, v1;
	v3 =	vld.idx.msk [tilespmem:v3+s3+$0x0], $0xffff  }
0xfd: {  	v6 =	vor.u32 v36, v1;
	v4 =	vld.idx.msk [tilespmem:v20+s3+$0x0], $0xffff  }
0xfe: {  	v7 =	vor.u32 v23, v2;
	_ =	sdelay $0x2  }
0xff: {  	[tilespmem:v21+s12+$0x0] =	vst.idx.msk $0xffff, v3  }
0x100: {  	[tilespmem:v6+s12+$0x0] =	vst.idx.msk $0xffff, v4  }
0x101: {  	v3 =	vld.idx.msk [tilespmem:v7+s11+$0x0], $0xffff;
	_ =	sdelay $0x4  }
0x102: {  	v3 =	vshll.u32 v3, $0x3  }
0x103: {  	v22 =	vor.u32 $0x1, v3;
	_ =	sdelay $0x3  }
0x104: {  	v23 =	vor.u32 v37, v1;
	v3 =	vld.idx.msk [tilespmem:v3+s3+$0x0], $0xffff  }
0x105: {  	v6 =	vor.u32 v38, v1;
	v4 =	vld.idx.msk [tilespmem:v22+s3+$0x0], $0xffff  }
0x106: {  	v7 =	vor.u32 v24, v2;
	_ =	sdelay $0x2  }
0x107: {  	[tilespmem:v23+s12+$0x0] =	vst.idx.msk $0xffff, v3  }
0x108: {  	[tilespmem:v6+s12+$0x0] =	vst.idx.msk $0xffff, v4  }
0x109: {  	v3 =	vld.idx.msk [tilespmem:v7+s11+$0x0], $0xffff;
	_ =	sdelay $0x4  }
0x10a: {  	v3 =	vshll.u32 v3, $0x3  }
0x10b: {  	v20 =	vor.u32 $0x1, v3;
	_ =	sdelay $0x3  }
0x10c: {  	v21 =	vor.u32 v39, v1;
	v3 =	vld.idx.msk [tilespmem:v3+s3+$0x0], $0xffff  }
0x10d: {  	v6 =	vor.u32 v40, v1;
	v4 =	vld.idx.msk [tilespmem:v20+s3+$0x0], $0xffff  }
0x10e: {  	v7 =	vor.u32 v17, v2;
	_ =	sdelay $0x2  }
0x10f: {  	[tilespmem:v21+s12+$0x0] =	vst.idx.msk $0xffff, v3  }
0x110: {  	[tilespmem:v6+s12+$0x0] =	vst.idx.msk $0xffff, v4  }
0x111: {  	v3 =	vld.idx.msk [tilespmem:v7+s11+$0x0], $0xffff;
	_ =	sdelay $0x4  }
0x112: {  	v3 =	vshll.u32 v3, $0x3  }
0x113: {  	v22 =	vor.u32 $0x1, v3;
	_ =	sdelay $0x3  }
0x114: {  	v23 =	vor.u32 v41, v1;
	v3 =	vld.idx.msk [tilespmem:v3+s3+$0x0], $0xffff  }
0x115: {  	v6 =	vor.u32 v42, v1;
	v4 =	vld.idx.msk [tilespmem:v22+s3+$0x0], $0xffff  }
0x116: {  	v7 =	vor.u32 v27, v2;
	_ =	sdelay $0x2  }
0x117: {  	[tilespmem:v23+s12+$0x0] =	vst.idx.msk $0xffff, v3  }
0x118: {  	[tilespmem:v6+s12+$0x0] =	vst.idx.msk $0xffff, v4  }
0x119: {  	v3 =	vld.idx.msk [tilespmem:v7+s11+$0x0], $0xffff;
	_ =	sdelay $0x4  }
0x11a: {  	v3 =	vshll.u32 v3, $0x3  }
0x11b: {  	v20 =	vor.u32 $0x1, v3;
	_ =	sdelay $0x3  }
0x11c: {  	v21 =	vor.u32 v43, v1;
	v3 =	vld.idx.msk [tilespmem:v3+s3+$0x0], $0xffff  }
0x11d: {  	v6 =	vor.u32 v44, v1;
	v4 =	vld.idx.msk [tilespmem:v20+s3+$0x0], $0xffff  }
0x11e: {  	v7 =	vor.u32 v29, v2;
	_ =	sdelay $0x2  }
0x11f: {  	[tilespmem:v21+s12+$0x0] =	vst.idx.msk $0xffff, v3  }
0x120: {  	[tilespmem:v6+s12+$0x0] =	vst.idx.msk $0xffff, v4  }
0x121: {  	v3 =	vld.idx.msk [tilespmem:v7+s11+$0x0], $0xffff;
	_ =	sdelay $0x4  }
0x122: {  	v3 =	vshll.u32 v3, $0x3  }
0x123: {  	v22 =	vor.u32 $0x1, v3;
	_ =	sdelay $0x3  }
0x124: {  	v23 =	vor.u32 v45, v1;
	v3 =	vld.idx.msk [tilespmem:v3+s3+$0x0], $0xffff  }
0x125: {  	v6 =	vor.u32 v46, v1;
	v4 =	vld.idx.msk [tilespmem:v22+s3+$0x0], $0xffff  }
0x126: {  	v7 =	vor.u32 v31, v2;
	_ =	sdelay $0x2  }
0x127: {  	[tilespmem:v23+s12+$0x0] =	vst.idx.msk $0xffff, v3  }
0x128: {  	[tilespmem:v6+s12+$0x0] =	vst.idx.msk $0xffff, v4  }
0x129: {  	v3 =	vld.idx.msk [tilespmem:v7+s11+$0x0], $0xffff;
	_ =	sdelay $0x4  }
0x12a: {  	v3 =	vshll.u32 v3, $0x3  }
0x12b: {  	v20 =	vor.u32 $0x1, v3;
	_ =	sdelay $0x3  }
0x12c: {  	v21 =	vor.u32 v47, v1;
	v3 =	vld.idx.msk [tilespmem:v3+s3+$0x0], $0xffff  }
0x12d: {  	v6 =	vor.u32 v48, v1;
	v4 =	vld.idx.msk [tilespmem:v20+s3+$0x0], $0xffff  }
0x12e: {  	v7 =	vor.u32 v33, v2;
	_ =	sdelay $0x2  }
0x12f: {  	[tilespmem:v21+s12+$0x0] =	vst.idx.msk $0xffff, v3  }
0x130: {  	[tilespmem:v6+s12+$0x0] =	vst.idx.msk $0xffff, v4  }
0x131: {  	v3 =	vld.idx.msk [tilespmem:v7+s11+$0x0], $0xffff;
	_ =	sdelay $0x4  }
0x132: {  	v3 =	vshll.u32 v3, $0x3  }
0x133: {  	v22 =	vor.u32 $0x1, v3;
	_ =	sdelay $0x3  }
0x134: {  	v23 =	vor.u32 v49, v1;
	v3 =	vld.idx.msk [tilespmem:v3+s3+$0x0], $0xffff  }
0x135: {  	v6 =	vor.u32 v50, v1;
	v4 =	vld.idx.msk [tilespmem:v22+s3+$0x0], $0xffff  }
0x136: {  	v7 =	vor.u32 v35, v2;
	_ =	sdelay $0x2  }
0x137: {  	[tilespmem:v23+s12+$0x0] =	vst.idx.msk $0xffff, v3  }
0x138: {  	[tilespmem:v6+s12+$0x0] =	vst.idx.msk $0xffff, v4  }
0x139: {  	v3 =	vld.idx.msk [tilespmem:v7+s11+$0x0], $0xffff;
	_ =	sdelay $0x4  }
0x13a: {  	v3 =	vshll.u32 v3, $0x3  }
0x13b: {  	v20 =	vor.u32 $0x1, v3;
	_ =	sdelay $0x3  }
0x13c: {  	v21 =	vor.u32 v51, v1;
	v3 =	vld.idx.msk [tilespmem:v3+s3+$0x0], $0xffff  }
0x13d: {  	v6 =	vor.u32 v52, v1;
	v4 =	vld.idx.msk [tilespmem:v20+s3+$0x0], $0xffff  }
0x13e: {  	v7 =	vor.u32 v37, v2;
	_ =	sdelay $0x2  }
0x13f: {  	[tilespmem:v21+s12+$0x0] =	vst.idx.msk $0xffff, v3  }
0x140: {  	[tilespmem:v6+s12+$0x0] =	vst.idx.msk $0xffff, v4  }
0x141: {  	v3 =	vld.idx.msk [tilespmem:v7+s11+$0x0], $0xffff;
	_ =	sdelay $0x4  }
0x142: {  	v3 =	vshll.u32 v3, $0x3  }
0x143: {  	v22 =	vor.u32 $0x1, v3;
	_ =	sdelay $0x3  }
0x144: {  	v23 =	vor.u32 v53, v1;
	v3 =	vld.idx.msk [tilespmem:v3+s3+$0x0], $0xffff  }
0x145: {  	v6 =	vor.u32 v54, v1;
	v4 =	vld.idx.msk [tilespmem:v22+s3+$0x0], $0xffff  }
0x146: {  	v7 =	vor.u32 v25, v2;
	_ =	sdelay $0x2  }
0x147: {  	[tilespmem:v23+s12+$0x0] =	vst.idx.msk $0xffff, v3  }
0x148: {  	[tilespmem:v6+s12+$0x0] =	vst.idx.msk $0xffff, v4  }
0x149: {  	v3 =	vld.idx.msk [tilespmem:v7+s11+$0x0], $0xffff;
	_ =	sdelay $0x4  }
0x14a: {  	v3 =	vshll.u32 v3, $0x3  }
0x14b: {  	v20 =	vor.u32 $0x1, v3;
	_ =	sdelay $0x3  }
0x14c: {  	v21 =	vor.u32 v55, v1;
	v3 =	vld.idx.msk [tilespmem:v3+s3+$0x0], $0xffff  }
0x14d: {  	v6 =	vor.u32 v56, v1;
	v4 =	vld.idx.msk [tilespmem:v20+s3+$0x0], $0xffff  }
0x14e: {  	v7 =	vor.u32 v26, v2;
	_ =	sdelay $0x2  }
0x14f: {  	[tilespmem:v21+s12+$0x0] =	vst.idx.msk $0xffff, v3  }
0x150: {  	[tilespmem:v6+s12+$0x0] =	vst.idx.msk $0xffff, v4  }
0x151: {  	v3 =	vld.idx.msk [tilespmem:v7+s11+$0x0], $0xffff;
	_ =	sdelay $0x4  }
0x152: {  	v3 =	vshll.u32 v3, $0x3  }
0x153: {  	v22 =	vor.u32 $0x1, v3;
	_ =	sdelay $0x3  }
0x154: {  	v23 =	vor.u32 v57, v1;
	v3 =	vld.idx.msk [tilespmem:v3+s3+$0x0], $0xffff  }
0x155: {  	v6 =	vor.u32 v58, v1;
	v4 =	vld.idx.msk [tilespmem:v22+s3+$0x0], $0xffff  }
0x156: {  	v7 =	vor.u32 v28, v2;
	_ =	sdelay $0x2  }
0x157: {  	[tilespmem:v23+s12+$0x0] =	vst.idx.msk $0xffff, v3  }
0x158: {  	[tilespmem:v6+s12+$0x0] =	vst.idx.msk $0xffff, v4  }
0x159: {  	v3 =	vld.idx.msk [tilespmem:v7+s11+$0x0], $0xffff;
	_ =	sdelay $0x4  }
0x15a: {  	v3 =	vshll.u32 v3, $0x3  }
0x15b: {  	v20 =	vor.u32 $0x1, v3;
	_ =	sdelay $0x3  }
0x15c: {  	v21 =	vor.u32 v59, v1;
	v3 =	vld.idx.msk [tilespmem:v3+s3+$0x0], $0xffff  }
0x15d: {  	v6 =	vor.u32 v60, v1;
	v4 =	vld.idx.msk [tilespmem:v20+s3+$0x0], $0xffff  }
0x15e: {  	v7 =	vor.u32 v30, v2;
	_ =	sdelay $0x2  }
0x15f: {  	[tilespmem:v21+s12+$0x0] =	vst.idx.msk $0xffff, v3  }
0x160: {  	[tilespmem:v6+s12+$0x0] =	vst.idx.msk $0xffff, v4  }
0x161: {  	v3 =	vld.idx.msk [tilespmem:v7+s11+$0x0], $0xffff;
	_ =	sdelay $0x4  }
0x162: {  	v3 =	vshll.u32 v3, $0x3  }
0x163: {  	v22 =	vor.u32 $0x1, v3;
	_ =	sdelay $0x3  }
0x164: {  	v23 =	vor.u32 v61, v1;
	v3 =	vld.idx.msk [tilespmem:v3+s3+$0x0], $0xffff  }
0x165: {  	v6 =	vor.u32 v62, v1;
	v4 =	vld.idx.msk [tilespmem:v22+s3+$0x0], $0xffff  }
0x166: {  	v7 =	vor.u32 v32, v2;
	_ =	sdelay $0x2  }
0x167: {  	[tilespmem:v23+s12+$0x0] =	vst.idx.msk $0xffff, v3  }
0x168: {  	[tilespmem:v6+s12+$0x0] =	vst.idx.msk $0xffff, v4  }
0x169: {  	v3 =	vld.idx.msk [tilespmem:v7+s11+$0x0], $0xffff;
	_ =	sdelay $0x4  }
0x16a: {  	v3 =	vshll.u32 v3, $0x3  }
0x16b: {  	v20 =	vor.u32 $0x1, v3;
	_ =	sdelay $0x3  }
0x16c: {  	v21 =	vor.u32 v63, v1;
	v3 =	vld.idx.msk [tilespmem:v3+s3+$0x0], $0xffff  }
0x16d: {  	v6 =	vor.u32 v10, v1;
	v4 =	vld.idx.msk [tilespmem:v20+s3+$0x0], $0xffff  }
0x16e: {  	v7 =	vor.u32 v34, v2;
	_ =	sdelay $0x2  }
0x16f: {  	[tilespmem:v21+s12+$0x0] =	vst.idx.msk $0xffff, v3  }
0x170: {  	[tilespmem:v6+s12+$0x0] =	vst.idx.msk $0xffff, v4  }
0x171: {  	v3 =	vld.idx.msk [tilespmem:v7+s11+$0x0], $0xffff;
	_ =	sdelay $0x4  }
0x172: {  	v3 =	vshll.u32 v3, $0x3  }
0x173: {  	v22 =	vor.u32 $0x1, v3;
	_ =	sdelay $0x3  }
0x174: {  	v23 =	vor.u32 v11, v1;
	v3 =	vld.idx.msk [tilespmem:v3+s3+$0x0], $0xffff  }
0x175: {  	v6 =	vor.u32 v12, v1;
	v4 =	vld.idx.msk [tilespmem:v22+s3+$0x0], $0xffff  }
0x176: {  	v7 =	vor.u32 v36, v2;
	_ =	sdelay $0x2  }
0x177: {  	[tilespmem:v23+s12+$0x0] =	vst.idx.msk $0xffff, v3  }
0x178: {  	[tilespmem:v6+s12+$0x0] =	vst.idx.msk $0xffff, v4  }
0x179: {  	v3 =	vld.idx.msk [tilespmem:v7+s11+$0x0], $0xffff;
	_ =	sdelay $0x4  }
0x17a: {  	v3 =	vshll.u32 v3, $0x3  }
0x17b: {  	v20 =	vor.u32 $0x1, v3;
	_ =	sdelay $0x3  }
0x17c: {  	v21 =	vor.u32 v13, v1;
	v3 =	vld.idx.msk [tilespmem:v3+s3+$0x0], $0xffff  }
0x17d: {  	v6 =	vor.u32 v14, v1;
	v4 =	vld.idx.msk [tilespmem:v20+s3+$0x0], $0xffff  }
0x17e: {  	v7 =	vor.u32 v38, v2;
	_ =	sdelay $0x2  }
0x17f: {  	[tilespmem:v21+s12+$0x0] =	vst.idx.msk $0xffff, v3  }
0x180: {  	[tilespmem:v6+s12+$0x0] =	vst.idx.msk $0xffff, v4  }
0x181: {  	v3 =	vld.idx.msk [tilespmem:v7+s11+$0x0], $0xffff;
	_ =	sdelay $0x4  }
0x182: {  	v3 =	vshll.u32 v3, $0x3  }
0x183: {  	v22 =	vor.u32 $0x1, v3;
	_ =	sdelay $0x3  }
0x184: {  	v23 =	vor.u32 v15, v1;
	v3 =	vld.idx.msk [tilespmem:v3+s3+$0x0], $0xffff  }
0x185: {  	v6 =	vor.u32 v16, v1;
	v4 =	vld.idx.msk [tilespmem:v22+s3+$0x0], $0xffff  }
0x186: {  	v7 =	vor.u32 v39, v2;
	_ =	sdelay $0x2  }
0x187: {  	[tilespmem:v23+s12+$0x0] =	vst.idx.msk $0xffff, v3  }
0x188: {  	[tilespmem:v6+s12+$0x0] =	vst.idx.msk $0xffff, v4  }
0x189: {  	v3 =	vld.idx.msk [tilespmem:v7+s11+$0x0], $0xffff;
	_ =	sdelay $0x4  }
0x18a: {  	v3 =	vshll.u32 v3, $0x3  }
0x18b: {  	v20 =	vor.u32 $0x1, v3;
	_ =	sdelay $0x2  }
0x18c: {  	v21 =	vor.u32 $0x400, v0  }
0x18d: {  	v5 =	vor.u32 v21, v1;
	v6 =	vor.u32 $0x480, v0;
	v3 =	vld.idx.msk [tilespmem:v3+s3+$0x0], $0xffff  }
0x18e: {  	v6 =	vor.u32 v6, v1;
	v4 =	vld.idx.msk [tilespmem:v20+s3+$0x0], $0xffff  }
0x18f: {  	v7 =	vor.u32 v41, v2;
	_ =	sdelay $0x2  }
0x190: {  	[tilespmem:v5+s12+$0x0] =	vst.idx.msk $0xffff, v3  }
0x191: {  	[tilespmem:v6+s12+$0x0] =	vst.idx.msk $0xffff, v4  }
0x192: {  	v3 =	vld.idx.msk [tilespmem:v7+s11+$0x0], $0xffff;
	_ =	sdelay $0x4  }
0x193: {  	v3 =	vshll.u32 v3, $0x3  }
0x194: {  	v22 =	vor.u32 $0x1, v3;
	_ =	sdelay $0x2  }
0x195: {  	v23 =	vor.u32 $0x410, v0  }
0x196: {  	v5 =	vor.u32 v23, v1;
	v6 =	vor.u32 $0x490, v0;
	v3 =	vld.idx.msk [tilespmem:v3+s3+$0x0], $0xffff  }
0x197: {  	v6 =	vor.u32 v6, v1;
	v4 =	vld.idx.msk [tilespmem:v22+s3+$0x0], $0xffff  }
0x198: {  	v7 =	vor.u32 v43, v2;
	_ =	sdelay $0x2  }
0x199: {  	[tilespmem:v5+s12+$0x0] =	vst.idx.msk $0xffff, v3  }
0x19a: {  	[tilespmem:v6+s12+$0x0] =	vst.idx.msk $0xffff, v4  }
0x19b: {  	v3 =	vld.idx.msk [tilespmem:v7+s11+$0x0], $0xffff;
	_ =	sdelay $0x4  }
0x19c: {  	v3 =	vshll.u32 v3, $0x3  }
0x19d: {  	v20 =	vor.u32 $0x1, v3;
	_ =	sdelay $0x2  }
0x19e: {  	v21 =	vor.u32 $0x420, v0  }
0x19f: {  	v5 =	vor.u32 v21, v1;
	v6 =	vor.u32 $0x4A0, v0;
	v3 =	vld.idx.msk [tilespmem:v3+s3+$0x0], $0xffff  }
0x1a0: {  	v6 =	vor.u32 v6, v1;
	v4 =	vld.idx.msk [tilespmem:v20+s3+$0x0], $0xffff  }
0x1a1: {  	v7 =	vor.u32 v45, v2;
	_ =	sdelay $0x2  }
0x1a2: {  	[tilespmem:v5+s12+$0x0] =	vst.idx.msk $0xffff, v3  }
0x1a3: {  	[tilespmem:v6+s12+$0x0] =	vst.idx.msk $0xffff, v4  }
0x1a4: {  	v3 =	vld.idx.msk [tilespmem:v7+s11+$0x0], $0xffff;
	_ =	sdelay $0x4  }
0x1a5: {  	v3 =	vshll.u32 v3, $0x3  }
0x1a6: {  	v22 =	vor.u32 $0x1, v3;
	_ =	sdelay $0x2  }
0x1a7: {  	v23 =	vor.u32 $0x430, v0  }
0x1a8: {  	v5 =	vor.u32 v23, v1;
	v6 =	vor.u32 $0x4B0, v0;
	v3 =	vld.idx.msk [tilespmem:v3+s3+$0x0], $0xffff  }
0x1a9: {  	v6 =	vor.u32 v6, v1;
	v4 =	vld.idx.msk [tilespmem:v22+s3+$0x0], $0xffff  }
0x1aa: {  	v7 =	vor.u32 v47, v2;
	_ =	sdelay $0x2  }
0x1ab: {  	[tilespmem:v5+s12+$0x0] =	vst.idx.msk $0xffff, v3  }
0x1ac: {  	[tilespmem:v6+s12+$0x0] =	vst.idx.msk $0xffff, v4  }
0x1ad: {  	v3 =	vld.idx.msk [tilespmem:v7+s11+$0x0], $0xffff;
	_ =	sdelay $0x4  }
0x1ae: {  	v3 =	vshll.u32 v3, $0x3  }
0x1af: {  	v20 =	vor.u32 $0x1, v3;
	_ =	sdelay $0x2  }
0x1b0: {  	v21 =	vor.u32 $0x440, v0  }
0x1b1: {  	v5 =	vor.u32 v21, v1;
	v6 =	vor.u32 $0x4C0, v0;
	v3 =	vld.idx.msk [tilespmem:v3+s3+$0x0], $0xffff  }
0x1b2: {  	v6 =	vor.u32 v6, v1;
	v4 =	vld.idx.msk [tilespmem:v20+s3+$0x0], $0xffff  }
0x1b3: {  	v7 =	vor.u32 v49, v2;
	_ =	sdelay $0x2  }
0x1b4: {  	[tilespmem:v5+s12+$0x0] =	vst.idx.msk $0xffff, v3  }
0x1b5: {  	[tilespmem:v6+s12+$0x0] =	vst.idx.msk $0xffff, v4  }
0x1b6: {  	v3 =	vld.idx.msk [tilespmem:v7+s11+$0x0], $0xffff;
	_ =	sdelay $0x4  }
0x1b7: {  	v3 =	vshll.u32 v3, $0x3  }
0x1b8: {  	v22 =	vor.u32 $0x1, v3;
	_ =	sdelay $0x2  }
0x1b9: {  	v23 =	vor.u32 $0x450, v0  }
0x1ba: {  	v5 =	vor.u32 v23, v1;
	v6 =	vor.u32 $0x4D0, v0;
	v3 =	vld.idx.msk [tilespmem:v3+s3+$0x0], $0xffff  }
0x1bb: {  	v6 =	vor.u32 v6, v1;
	v4 =	vld.idx.msk [tilespmem:v22+s3+$0x0], $0xffff  }
0x1bc: {  	v7 =	vor.u32 v51, v2;
	_ =	sdelay $0x2  }
0x1bd: {  	[tilespmem:v5+s12+$0x0] =	vst.idx.msk $0xffff, v3  }
0x1be: {  	[tilespmem:v6+s12+$0x0] =	vst.idx.msk $0xffff, v4  }
0x1bf: {  	v3 =	vld.idx.msk [tilespmem:v7+s11+$0x0], $0xffff;
	_ =	sdelay $0x4  }
0x1c0: {  	v3 =	vshll.u32 v3, $0x3  }
0x1c1: {  	v20 =	vor.u32 $0x1, v3;
	_ =	sdelay $0x2  }
0x1c2: {  	v21 =	vor.u32 $0x460, v0  }
0x1c3: {  	v5 =	vor.u32 v21, v1;
	v6 =	vor.u32 $0x4E0, v0;
	v3 =	vld.idx.msk [tilespmem:v3+s3+$0x0], $0xffff  }
0x1c4: {  	v6 =	vor.u32 v6, v1;
	v4 =	vld.idx.msk [tilespmem:v20+s3+$0x0], $0xffff  }
0x1c5: {  	v7 =	vor.u32 v53, v2;
	_ =	sdelay $0x2  }
0x1c6: {  	[tilespmem:v5+s12+$0x0] =	vst.idx.msk $0xffff, v3  }
0x1c7: {  	[tilespmem:v6+s12+$0x0] =	vst.idx.msk $0xffff, v4  }
0x1c8: {  	v3 =	vld.idx.msk [tilespmem:v7+s11+$0x0], $0xffff;
	_ =	sdelay $0x4  }
0x1c9: {  	v3 =	vshll.u32 v3, $0x3  }
0x1ca: {  	v22 =	vor.u32 $0x1, v3;
	_ =	sdelay $0x2  }
0x1cb: {  	v23 =	vor.u32 $0x470, v0  }
0x1cc: {  	v5 =	vor.u32 v23, v1;
	v6 =	vor.u32 $0x4F0, v0;
	v3 =	vld.idx.msk [tilespmem:v3+s3+$0x0], $0xffff  }
0x1cd: {  	v6 =	vor.u32 v6, v1;
	v4 =	vld.idx.msk [tilespmem:v22+s3+$0x0], $0xffff  }
0x1ce: {  	v7 =	vor.u32 v40, v2;
	_ =	sdelay $0x2  }
0x1cf: {  	[tilespmem:v5+s12+$0x0] =	vst.idx.msk $0xffff, v3  }
0x1d0: {  	[tilespmem:v6+s12+$0x0] =	vst.idx.msk $0xffff, v4  }
0x1d1: {  	v3 =	vld.idx.msk [tilespmem:v7+s11+$0x0], $0xffff;
	_ =	sdelay $0x4  }
0x1d2: {  	v3 =	vshll.u32 v3, $0x3  }
0x1d3: {  	v20 =	vor.u32 $0x1, v3;
	_ =	sdelay $0x2  }
0x1d4: {  	v21 =	vor.u32 $0x500, v0  }
0x1d5: {  	v5 =	vor.u32 v21, v1;
	v6 =	vor.u32 $0x580, v0;
	v3 =	vld.idx.msk [tilespmem:v3+s3+$0x0], $0xffff  }
0x1d6: {  	v6 =	vor.u32 v6, v1;
	v4 =	vld.idx.msk [tilespmem:v20+s3+$0x0], $0xffff  }
0x1d7: {  	v7 =	vor.u32 v42, v2;
	_ =	sdelay $0x2  }
0x1d8: {  	[tilespmem:v5+s12+$0x0] =	vst.idx.msk $0xffff, v3  }
0x1d9: {  	[tilespmem:v6+s12+$0x0] =	vst.idx.msk $0xffff, v4  }
0x1da: {  	v3 =	vld.idx.msk [tilespmem:v7+s11+$0x0], $0xffff;
	_ =	sdelay $0x4  }
0x1db: {  	v3 =	vshll.u32 v3, $0x3  }
0x1dc: {  	v22 =	vor.u32 $0x1, v3;
	_ =	sdelay $0x2  }
0x1dd: {  	v23 =	vor.u32 $0x510, v0  }
0x1de: {  	v5 =	vor.u32 v23, v1;
	v6 =	vor.u32 $0x590, v0;
	v3 =	vld.idx.msk [tilespmem:v3+s3+$0x0], $0xffff  }
0x1df: {  	v6 =	vor.u32 v6, v1;
	v4 =	vld.idx.msk [tilespmem:v22+s3+$0x0], $0xffff  }
0x1e0: {  	v7 =	vor.u32 v44, v2;
	_ =	sdelay $0x2  }
0x1e1: {  	[tilespmem:v5+s12+$0x0] =	vst.idx.msk $0xffff, v3  }
0x1e2: {  	[tilespmem:v6+s12+$0x0] =	vst.idx.msk $0xffff, v4  }
0x1e3: {  	v3 =	vld.idx.msk [tilespmem:v7+s11+$0x0], $0xffff;
	_ =	sdelay $0x4  }
0x1e4: {  	v3 =	vshll.u32 v3, $0x3  }
0x1e5: {  	v20 =	vor.u32 $0x1, v3;
	_ =	sdelay $0x2  }
0x1e6: {  	v21 =	vor.u32 $0x520, v0  }
0x1e7: {  	v5 =	vor.u32 v21, v1;
	v6 =	vor.u32 $0x5A0, v0;
	v3 =	vld.idx.msk [tilespmem:v3+s3+$0x0], $0xffff  }
0x1e8: {  	v6 =	vor.u32 v6, v1;
	v4 =	vld.idx.msk [tilespmem:v20+s3+$0x0], $0xffff  }
0x1e9: {  	v7 =	vor.u32 v46, v2;
	_ =	sdelay $0x2  }
0x1ea: {  	[tilespmem:v5+s12+$0x0] =	vst.idx.msk $0xffff, v3  }
0x1eb: {  	[tilespmem:v6+s12+$0x0] =	vst.idx.msk $0xffff, v4  }
0x1ec: {  	v3 =	vld.idx.msk [tilespmem:v7+s11+$0x0], $0xffff;
	_ =	sdelay $0x4  }
0x1ed: {  	v3 =	vshll.u32 v3, $0x3  }
0x1ee: {  	v22 =	vor.u32 $0x1, v3;
	_ =	sdelay $0x2  }
0x1ef: {  	v23 =	vor.u32 $0x530, v0  }
0x1f0: {  	v5 =	vor.u32 v23, v1;
	v6 =	vor.u32 $0x5B0, v0;
	v3 =	vld.idx.msk [tilespmem:v3+s3+$0x0], $0xffff  }
0x1f1: {  	v6 =	vor.u32 v6, v1;
	v4 =	vld.idx.msk [tilespmem:v22+s3+$0x0], $0xffff  }
0x1f2: {  	v7 =	vor.u32 v48, v2;
	_ =	sdelay $0x2  }
0x1f3: {  	[tilespmem:v5+s12+$0x0] =	vst.idx.msk $0xffff, v3  }
0x1f4: {  	[tilespmem:v6+s12+$0x0] =	vst.idx.msk $0xffff, v4  }
0x1f5: {  	v3 =	vld.idx.msk [tilespmem:v7+s11+$0x0], $0xffff;
	_ =	sdelay $0x4  }
0x1f6: {  	v3 =	vshll.u32 v3, $0x3  }
0x1f7: {  	v20 =	vor.u32 $0x1, v3;
	_ =	sdelay $0x2  }
0x1f8: {  	v21 =	vor.u32 $0x540, v0  }
0x1f9: {  	v5 =	vor.u32 v21, v1;
	v6 =	vor.u32 $0x5C0, v0;
	v3 =	vld.idx.msk [tilespmem:v3+s3+$0x0], $0xffff  }
0x1fa: {  	v6 =	vor.u32 v6, v1;
	v4 =	vld.idx.msk [tilespmem:v20+s3+$0x0], $0xffff  }
0x1fb: {  	v7 =	vor.u32 v50, v2;
	_ =	sdelay $0x2  }
0x1fc: {  	[tilespmem:v5+s12+$0x0] =	vst.idx.msk $0xffff, v3  }
0x1fd: {  	[tilespmem:v6+s12+$0x0] =	vst.idx.msk $0xffff, v4  }
0x1fe: {  	v3 =	vld.idx.msk [tilespmem:v7+s11+$0x0], $0xffff;
	_ =	sdelay $0x4  }
0x1ff: {  	v3 =	vshll.u32 v3, $0x3  }
0x200: {  	v22 =	vor.u32 $0x1, v3;
	_ =	sdelay $0x2  }
0x201: {  	v23 =	vor.u32 $0x550, v0  }
0x202: {  	v5 =	vor.u32 v23, v1;
	v6 =	vor.u32 $0x5D0, v0;
	v3 =	vld.idx.msk [tilespmem:v3+s3+$0x0], $0xffff  }
0x203: {  	v6 =	vor.u32 v6, v1;
	v4 =	vld.idx.msk [tilespmem:v22+s3+$0x0], $0xffff  }
0x204: {  	v7 =	vor.u32 v52, v2;
	_ =	sdelay $0x2  }
0x205: {  	[tilespmem:v5+s12+$0x0] =	vst.idx.msk $0xffff, v3  }
0x206: {  	[tilespmem:v6+s12+$0x0] =	vst.idx.msk $0xffff, v4  }
0x207: {  	v3 =	vld.idx.msk [tilespmem:v7+s11+$0x0], $0xffff;
	_ =	sdelay $0x4  }
0x208: {  	v3 =	vshll.u32 v3, $0x3  }
0x209: {  	v20 =	vor.u32 $0x1, v3;
	_ =	sdelay $0x2  }
0x20a: {  	v21 =	vor.u32 $0x560, v0  }
0x20b: {  	v5 =	vor.u32 v21, v1;
	v6 =	vor.u32 $0x5E0, v0;
	v3 =	vld.idx.msk [tilespmem:v3+s3+$0x0], $0xffff  }
0x20c: {  	v6 =	vor.u32 v6, v1;
	v4 =	vld.idx.msk [tilespmem:v20+s3+$0x0], $0xffff  }
0x20d: {  	v7 =	vor.u32 v54, v2;
	_ =	sdelay $0x2  }
0x20e: {  	[tilespmem:v5+s12+$0x0] =	vst.idx.msk $0xffff, v3  }
0x20f: {  	[tilespmem:v6+s12+$0x0] =	vst.idx.msk $0xffff, v4  }
0x210: {  	v3 =	vld.idx.msk [tilespmem:v7+s11+$0x0], $0xffff;
	_ =	sdelay $0x4  }
0x211: {  	v3 =	vshll.u32 v3, $0x3  }
0x212: {  	v22 =	vor.u32 $0x1, v3;
	_ =	sdelay $0x2  }
0x213: {  	v23 =	vor.u32 $0x570, v0  }
0x214: {  	v5 =	vor.u32 v23, v1;
	v6 =	vor.u32 $0x5F0, v0;
	v3 =	vld.idx.msk [tilespmem:v3+s3+$0x0], $0xffff  }
0x215: {  	v6 =	vor.u32 v6, v1;
	v4 =	vld.idx.msk [tilespmem:v22+s3+$0x0], $0xffff  }
0x216: {  	v7 =	vor.u32 v55, v2;
	_ =	sdelay $0x2  }
0x217: {  	[tilespmem:v5+s12+$0x0] =	vst.idx.msk $0xffff, v3  }
0x218: {  	[tilespmem:v6+s12+$0x0] =	vst.idx.msk $0xffff, v4  }
0x219: {  	v3 =	vld.idx.msk [tilespmem:v7+s11+$0x0], $0xffff;
	_ =	sdelay $0x4  }
0x21a: {  	v3 =	vshll.u32 v3, $0x3  }
0x21b: {  	v20 =	vor.u32 $0x1, v3;
	_ =	sdelay $0x2  }
0x21c: {  	v21 =	vor.u32 $0x600, v0  }
0x21d: {  	v5 =	vor.u32 v21, v1;
	v6 =	vor.u32 $0x680, v0;
	v3 =	vld.idx.msk [tilespmem:v3+s3+$0x0], $0xffff  }
0x21e: {  	v6 =	vor.u32 v6, v1;
	v4 =	vld.idx.msk [tilespmem:v20+s3+$0x0], $0xffff  }
0x21f: {  	v7 =	vor.u32 v57, v2;
	_ =	sdelay $0x2  }
0x220: {  	[tilespmem:v5+s12+$0x0] =	vst.idx.msk $0xffff, v3  }
0x221: {  	[tilespmem:v6+s12+$0x0] =	vst.idx.msk $0xffff, v4  }
0x222: {  	v3 =	vld.idx.msk [tilespmem:v7+s11+$0x0], $0xffff;
	_ =	sdelay $0x4  }
0x223: {  	v3 =	vshll.u32 v3, $0x3  }
0x224: {  	v22 =	vor.u32 $0x1, v3;
	_ =	sdelay $0x2  }
0x225: {  	v23 =	vor.u32 $0x610, v0  }
0x226: {  	v5 =	vor.u32 v23, v1;
	v6 =	vor.u32 $0x690, v0;
	v3 =	vld.idx.msk [tilespmem:v3+s3+$0x0], $0xffff  }
0x227: {  	v6 =	vor.u32 v6, v1;
	v4 =	vld.idx.msk [tilespmem:v22+s3+$0x0], $0xffff  }
0x228: {  	v7 =	vor.u32 v59, v2;
	_ =	sdelay $0x2  }
0x229: {  	[tilespmem:v5+s12+$0x0] =	vst.idx.msk $0xffff, v3  }
0x22a: {  	[tilespmem:v6+s12+$0x0] =	vst.idx.msk $0xffff, v4  }
0x22b: {  	v3 =	vld.idx.msk [tilespmem:v7+s11+$0x0], $0xffff;
	_ =	sdelay $0x4  }
0x22c: {  	v3 =	vshll.u32 v3, $0x3  }
0x22d: {  	v20 =	vor.u32 $0x1, v3;
	_ =	sdelay $0x2  }
0x22e: {  	v21 =	vor.u32 $0x620, v0  }
0x22f: {  	v5 =	vor.u32 v21, v1;
	v6 =	vor.u32 $0x6A0, v0;
	v3 =	vld.idx.msk [tilespmem:v3+s3+$0x0], $0xffff  }
0x230: {  	v6 =	vor.u32 v6, v1;
	v4 =	vld.idx.msk [tilespmem:v20+s3+$0x0], $0xffff  }
0x231: {  	v7 =	vor.u32 v61, v2;
	_ =	sdelay $0x2  }
0x232: {  	[tilespmem:v5+s12+$0x0] =	vst.idx.msk $0xffff, v3  }
0x233: {  	[tilespmem:v6+s12+$0x0] =	vst.idx.msk $0xffff, v4  }
0x234: {  	v3 =	vld.idx.msk [tilespmem:v7+s11+$0x0], $0xffff;
	_ =	sdelay $0x4  }
0x235: {  	v3 =	vshll.u32 v3, $0x3  }
0x236: {  	v22 =	vor.u32 $0x1, v3;
	_ =	sdelay $0x2  }
0x237: {  	v23 =	vor.u32 $0x630, v0  }
0x238: {  	v5 =	vor.u32 v23, v1;
	v6 =	vor.u32 $0x6B0, v0;
	v3 =	vld.idx.msk [tilespmem:v3+s3+$0x0], $0xffff  }
0x239: {  	v6 =	vor.u32 v6, v1;
	v4 =	vld.idx.msk [tilespmem:v22+s3+$0x0], $0xffff  }
0x23a: {  	v7 =	vor.u32 v63, v2;
	_ =	sdelay $0x2  }
0x23b: {  	[tilespmem:v5+s12+$0x0] =	vst.idx.msk $0xffff, v3  }
0x23c: {  	[tilespmem:v6+s12+$0x0] =	vst.idx.msk $0xffff, v4  }
0x23d: {  	v3 =	vld.idx.msk [tilespmem:v7+s11+$0x0], $0xffff;
	_ =	sdelay $0x4  }
0x23e: {  	v3 =	vshll.u32 v3, $0x3  }
0x23f: {  	v20 =	vor.u32 $0x1, v3;
	_ =	sdelay $0x2  }
0x240: {  	v21 =	vor.u32 $0x640, v0  }
0x241: {  	v5 =	vor.u32 v21, v1;
	v6 =	vor.u32 $0x6C0, v0;
	v3 =	vld.idx.msk [tilespmem:v3+s3+$0x0], $0xffff  }
0x242: {  	v6 =	vor.u32 v6, v1;
	v4 =	vld.idx.msk [tilespmem:v20+s3+$0x0], $0xffff  }
0x243: {  	v7 =	vor.u32 v11, v2;
	_ =	sdelay $0x2  }
0x244: {  	[tilespmem:v5+s12+$0x0] =	vst.idx.msk $0xffff, v3  }
0x245: {  	[tilespmem:v6+s12+$0x0] =	vst.idx.msk $0xffff, v4  }
0x246: {  	v3 =	vld.idx.msk [tilespmem:v7+s11+$0x0], $0xffff;
	_ =	sdelay $0x4  }
0x247: {  	v3 =	vshll.u32 v3, $0x3  }
0x248: {  	v22 =	vor.u32 $0x1, v3;
	_ =	sdelay $0x2  }
0x249: {  	v23 =	vor.u32 $0x650, v0  }
0x24a: {  	v5 =	vor.u32 v23, v1;
	v6 =	vor.u32 $0x6D0, v0;
	v3 =	vld.idx.msk [tilespmem:v3+s3+$0x0], $0xffff  }
0x24b: {  	v6 =	vor.u32 v6, v1;
	v4 =	vld.idx.msk [tilespmem:v22+s3+$0x0], $0xffff  }
0x24c: {  	v7 =	vor.u32 v13, v2;
	_ =	sdelay $0x2  }
0x24d: {  	[tilespmem:v5+s12+$0x0] =	vst.idx.msk $0xffff, v3  }
0x24e: {  	[tilespmem:v6+s12+$0x0] =	vst.idx.msk $0xffff, v4  }
0x24f: {  	v3 =	vld.idx.msk [tilespmem:v7+s11+$0x0], $0xffff;
	_ =	sdelay $0x4  }
0x250: {  	v3 =	vshll.u32 v3, $0x3  }
0x251: {  	v20 =	vor.u32 $0x1, v3;
	_ =	sdelay $0x2  }
0x252: {  	v21 =	vor.u32 $0x660, v0  }
0x253: {  	v5 =	vor.u32 v21, v1;
	v6 =	vor.u32 $0x6E0, v0;
	v3 =	vld.idx.msk [tilespmem:v3+s3+$0x0], $0xffff  }
0x254: {  	v6 =	vor.u32 v6, v1;
	v4 =	vld.idx.msk [tilespmem:v20+s3+$0x0], $0xffff  }
0x255: {  	v7 =	vor.u32 v15, v2;
	_ =	sdelay $0x2  }
0x256: {  	[tilespmem:v5+s12+$0x0] =	vst.idx.msk $0xffff, v3  }
0x257: {  	[tilespmem:v6+s12+$0x0] =	vst.idx.msk $0xffff, v4  }
0x258: {  	v3 =	vld.idx.msk [tilespmem:v7+s11+$0x0], $0xffff;
	_ =	sdelay $0x4  }
0x259: {  	v3 =	vshll.u32 v3, $0x3  }
0x25a: {  	v22 =	vor.u32 $0x1, v3;
	_ =	sdelay $0x2  }
0x25b: {  	v23 =	vor.u32 $0x670, v0  }
0x25c: {  	v5 =	vor.u32 v23, v1;
	v6 =	vor.u32 $0x6F0, v0;
	v3 =	vld.idx.msk [tilespmem:v3+s3+$0x0], $0xffff  }
0x25d: {  	v6 =	vor.u32 v6, v1;
	v4 =	vld.idx.msk [tilespmem:v22+s3+$0x0], $0xffff  }
0x25e: {  	v7 =	vor.u32 v56, v2;
	_ =	sdelay $0x2  }
0x25f: {  	[tilespmem:v5+s12+$0x0] =	vst.idx.msk $0xffff, v3  }
0x260: {  	[tilespmem:v6+s12+$0x0] =	vst.idx.msk $0xffff, v4  }
0x261: {  	v3 =	vld.idx.msk [tilespmem:v7+s11+$0x0], $0xffff;
	_ =	sdelay $0x4  }
0x262: {  	v3 =	vshll.u32 v3, $0x3  }
0x263: {  	v20 =	vor.u32 $0x1, v3;
	_ =	sdelay $0x2  }
0x264: {  	v21 =	vor.u32 $0x700, v0  }
0x265: {  	v5 =	vor.u32 v21, v1;
	v6 =	vor.u32 $0x780, v0;
	v3 =	vld.idx.msk [tilespmem:v3+s3+$0x0], $0xffff  }
0x266: {  	v6 =	vor.u32 v6, v1;
	v4 =	vld.idx.msk [tilespmem:v20+s3+$0x0], $0xffff  }
0x267: {  	v7 =	vor.u32 v58, v2;
	_ =	sdelay $0x2  }
0x268: {  	[tilespmem:v5+s12+$0x0] =	vst.idx.msk $0xffff, v3  }
0x269: {  	[tilespmem:v6+s12+$0x0] =	vst.idx.msk $0xffff, v4  }
0x26a: {  	v3 =	vld.idx.msk [tilespmem:v7+s11+$0x0], $0xffff;
	_ =	sdelay $0x4  }
0x26b: {  	v3 =	vshll.u32 v3, $0x3  }
0x26c: {  	v22 =	vor.u32 $0x1, v3;
	_ =	sdelay $0x2  }
0x26d: {  	v23 =	vor.u32 $0x710, v0  }
0x26e: {  	v5 =	vor.u32 v23, v1;
	v6 =	vor.u32 $0x790, v0;
	v3 =	vld.idx.msk [tilespmem:v3+s3+$0x0], $0xffff  }
0x26f: {  	v6 =	vor.u32 v6, v1;
	v4 =	vld.idx.msk [tilespmem:v22+s3+$0x0], $0xffff  }
0x270: {  	v7 =	vor.u32 v60, v2;
	_ =	sdelay $0x2  }
0x271: {  	[tilespmem:v5+s12+$0x0] =	vst.idx.msk $0xffff, v3  }
0x272: {  	[tilespmem:v6+s12+$0x0] =	vst.idx.msk $0xffff, v4  }
0x273: {  	v3 =	vld.idx.msk [tilespmem:v7+s11+$0x0], $0xffff;
	_ =	sdelay $0x4  }
0x274: {  	v3 =	vshll.u32 v3, $0x3  }
0x275: {  	v20 =	vor.u32 $0x1, v3;
	_ =	sdelay $0x2  }
0x276: {  	v21 =	vor.u32 $0x720, v0  }
0x277: {  	v5 =	vor.u32 v21, v1;
	v6 =	vor.u32 $0x7A0, v0;
	v3 =	vld.idx.msk [tilespmem:v3+s3+$0x0], $0xffff  }
0x278: {  	v6 =	vor.u32 v6, v1;
	v4 =	vld.idx.msk [tilespmem:v20+s3+$0x0], $0xffff  }
0x279: {  	v7 =	vor.u32 v62, v2;
	_ =	sdelay $0x2  }
0x27a: {  	[tilespmem:v5+s12+$0x0] =	vst.idx.msk $0xffff, v3  }
0x27b: {  	[tilespmem:v6+s12+$0x0] =	vst.idx.msk $0xffff, v4  }
0x27c: {  	v3 =	vld.idx.msk [tilespmem:v7+s11+$0x0], $0xffff;
	_ =	sdelay $0x4  }
0x27d: {  	v3 =	vshll.u32 v3, $0x3  }
0x27e: {  	v22 =	vor.u32 $0x1, v3;
	_ =	sdelay $0x2  }
0x27f: {  	v23 =	vor.u32 $0x730, v0  }
0x280: {  	v5 =	vor.u32 v23, v1;
	v6 =	vor.u32 $0x7B0, v0;
	v3 =	vld.idx.msk [tilespmem:v3+s3+$0x0], $0xffff  }
0x281: {  	v6 =	vor.u32 v6, v1;
	v4 =	vld.idx.msk [tilespmem:v22+s3+$0x0], $0xffff  }
0x282: {  	v7 =	vor.u32 v10, v2;
	_ =	sdelay $0x2  }
0x283: {  	[tilespmem:v5+s12+$0x0] =	vst.idx.msk $0xffff, v3  }
0x284: {  	[tilespmem:v6+s12+$0x0] =	vst.idx.msk $0xffff, v4  }
0x285: {  	v3 =	vld.idx.msk [tilespmem:v7+s11+$0x0], $0xffff;
	_ =	sdelay $0x4  }
0x286: {  	v3 =	vshll.u32 v3, $0x3  }
0x287: {  	v20 =	vor.u32 $0x1, v3;
	_ =	sdelay $0x2  }
0x288: {  	v21 =	vor.u32 $0x740, v0  }
0x289: {  	v5 =	vor.u32 v21, v1;
	v6 =	vor.u32 $0x7C0, v0;
	v3 =	vld.idx.msk [tilespmem:v3+s3+$0x0], $0xffff  }
0x28a: {  	v6 =	vor.u32 v6, v1;
	v4 =	vld.idx.msk [tilespmem:v20+s3+$0x0], $0xffff  }
0x28b: {  	v7 =	vor.u32 v12, v2;
	_ =	sdelay $0x2  }
0x28c: {  	[tilespmem:v5+s12+$0x0] =	vst.idx.msk $0xffff, v3  }
0x28d: {  	[tilespmem:v6+s12+$0x0] =	vst.idx.msk $0xffff, v4  }
0x28e: {  	v3 =	vld.idx.msk [tilespmem:v7+s11+$0x0], $0xffff;
	_ =	sdelay $0x4  }
0x28f: {  	v3 =	vshll.u32 v3, $0x3  }
0x290: {  	v22 =	vor.u32 $0x1, v3;
	_ =	sdelay $0x2  }
0x291: {  	v23 =	vor.u32 $0x750, v0  }
0x292: {  	v5 =	vor.u32 v23, v1;
	v6 =	vor.u32 $0x7D0, v0;
	v3 =	vld.idx.msk [tilespmem:v3+s3+$0x0], $0xffff  }
0x293: {  	v6 =	vor.u32 v6, v1;
	v4 =	vld.idx.msk [tilespmem:v22+s3+$0x0], $0xffff  }
0x294: {  	v7 =	vor.u32 v14, v2;
	_ =	sdelay $0x2  }
0x295: {  	[tilespmem:v5+s12+$0x0] =	vst.idx.msk $0xffff, v3  }
0x296: {  	[tilespmem:v6+s12+$0x0] =	vst.idx.msk $0xffff, v4  }
0x297: {  	v3 =	vld.idx.msk [tilespmem:v7+s11+$0x0], $0xffff;
	_ =	sdelay $0x4  }
0x298: {  	v3 =	vshll.u32 v3, $0x3  }
0x299: {  	v20 =	vor.u32 $0x1, v3;
	_ =	sdelay $0x2  }
0x29a: {  	v21 =	vor.u32 $0x760, v0  }
0x29b: {  	v5 =	vor.u32 v21, v1;
	v6 =	vor.u32 $0x7E0, v0;
	v3 =	vld.idx.msk [tilespmem:v3+s3+$0x0], $0xffff  }
0x29c: {  	v6 =	vor.u32 v6, v1;
	v4 =	vld.idx.msk [tilespmem:v20+s3+$0x0], $0xffff  }
0x29d: {  	v2 =	vor.u32 v16, v2;
	_ =	sdelay $0x2  }
0x29e: {  	[tilespmem:v5+s12+$0x0] =	vst.idx.msk $0xffff, v3  }
0x29f: {  	[tilespmem:v6+s12+$0x0] =	vst.idx.msk $0xffff, v4  }
0x2a0: {  	v2 =	vld.idx.msk [tilespmem:v2+s11+$0x0], $0xffff;
	_ =	sdelay $0x4  }
0x2a1: {  	v2 =	vshll.u32 v2, $0x3  }
0x2a2: {  	v3 =	vor.u32 $0x1, v2;
	_ =	sdelay $0x2  }
0x2a3: {  	v22 =	vor.u32 $0x770, v0  }
0x2a4: {  	v23 =	vor.u32 $0x7F0, v0;
	v4 =	vor.u32 v22, v1;
	v2 =	vld.idx.msk [tilespmem:v2+s3+$0x0], $0xffff  }
0x2a5: {  	p0 =	sne.s32 s20, $0x4;
	v1 =	vor.u32 v23, v1;
	v3 =	vld.idx.msk [tilespmem:v3+s3+$0x0], $0xffff  }
.Ltmp0:
0x2a6: {  	_ = 	snop;
	(pc) =	sbr.rel @p0 .LBB2_4-.Ltmp0, $3  }
0x2a7: {  	_ =	sdelay $0x1  }
0x2a8: {  	[tilespmem:v4+s12+$0x0] =	vst.idx.msk $0xffff, v2  }
0x2a9: {  	s20 =	sadd.s32 $0x1, s20;
	[tilespmem:v1+s12+$0x0] =	vst.idx.msk $0xffff, v3  }
0x2aa: {  	s20 =	smul.u32 $0x140000, s19;
	_ =	sdelay $0x1  }
0x2ab: {  	s19 =	sadd.s32 $0x1, s19;
	s20 =	sadd.s32 s18, s20  }
0x2ac: {  	p0 =	sne.s32 s19, $0x5;
	s20 =	sshrl.u32 s20, $0x3  }
.Ltmp1:
0x2ad: {  	s20 =	sadd.s32 s2, s20;
	(pc) =	sbr.rel @p0 .LBB2_3-.Ltmp1, $4  }
0x2ae: {  	[hbm4b:s20+s13] =	stream.strided.scatter [tilespmem:s12], [sflag:$0x1], $0x2800, s14, s13, $0x38;
	[tilespmem:$0x3E00] =	vst v63  }
0x2af: {  	_ =	swait.ge [sflag:s8], $0x2800  }
0x2b0: {  	[sflag:s8] =	ssyncset.done $0x0  }
0x2b1: {  	[sflag:s8] =	ssyncadd.s32 $0xFFFFD800  }
0x2b2: {  	s16 =	sadd.s32 $0x1, s16  }
0x2b3: {  	p0 =	sne.s32 s16, $0x4  }
.Ltmp2:
0x2b4: {  	_ = 	snop;
	(pc) =	sbr.rel @p0 .LBB2_2-.Ltmp2, $1  }
0x2b5: {  	_ =	sdelay $0x3  }
0x2b6: {  	s15 =	sadd.s32 $0x1, s15  }
0x2b7: {  	p0 =	sne.s32 s15, s7  }
.Ltmp3:
0x2b8: {  	_ = 	snop;
	(pc) =	sbr.rel @p0 .LBB2_1-.Ltmp3, $1  }
0x2b9: {  	_ =	sdelay $0x3  }
0x2ba: {  	_ =	sfence.sel $0x180000  }
0x2bb: {  	[bflag:$0x0] =	sbarrier.arrive $0xFFFF  }
0x2bc: {  	p0 =	sne.s32 s4, $0x0;
	_ =	strace $0x90000047  }
0x2bd: {  	s0 =	sadd.s32 @!p0 $0x100000, s1;
	[bflag:$0x2] =	sbarrier.arrive $0xFFFF  }
0x2be: {  	[sflag:s0] =	ssyncadd.tile.s32 @!p0 $0x1;
	_ =	shalt  }
.Lfunc_end2:
_tile_overlayer_lowered:
.L_overlay_start_2:
0x2bf: {  	(tag) =	ssettag $0x2  }
0x2c0: {  	s0 =	rddreg [dreg:$0x0];
	s2 =	stileid.u32  }
0x2c1: {  	s1 =	rddreg [dreg:$0x1];
	p0 =	sne.s32 s2, $0x0  }
0x2c2: {  	s3 =	rddreg [dreg:$0x2];
	[bflag:$0x3] =	sbarrier.arrive $0xFFFF;
	s2 =	simm.s32 @!p0 $0x1C01  }
0x2c3: {  	[timem:s3], [sflag:s2] =	dma.local @!p0 [hbm:s0], s1  }
0x2c4: {  	s0 =	simm.s32 @!p0 $0x1  }
0x2c5: {  	_ =	swait.ge @!p0 [sflag:s0], s1  }
0x2c6: {  	s1 =	ssub.s32 @!p0 $0x0, s1;
	[sflag:s0] =	ssyncset.done @!p0 $0x0  }
0x2c7: {  	[sflag:s0] =	ssyncadd.s32 @!p0 s1  }
0x2c8: {  	[bflag:$0x3] =	sbarrier.arrive $0xFFFF  }
0x2c9: {  	_ =	shalt  }

</sc_bundles>
